<compile_context>
chip_gen: v7x
topology: tpu7x:2x2x1
jax: 0.10.2.dev20260603
libtpu: 0.0.44.dev20260713+nightly
codegen_flags: <defaults>
</compile_context>

<pallas_src>
import functools

import jax
import jax.numpy as jnp
from jax import lax
from jax.experimental import pallas as pl
from jax.experimental.pallas import tpu as pltpu
from jax.experimental.pallas import tpu_sc as plsc

N_ENT = 10000
N_PAD = 10240
N_REL2 = 402
H = 128
E = 320000
BS = 1024
NB = 134
NW = 32
EPW = E // NW
CHUNK = 80
NCHUNK = EPW // CHUNK
ROWS_PW = N_PAD // 16

_mesh = plsc.VectorSubcoreMesh(core_axis_name="c", subcore_axis_name="s")

_GDN = lax.GatherDimensionNumbers(
    offset_dims=(), collapsed_slice_dims=(0,), start_index_map=(0,))


def _rot(v, idx):
    return lax.gather(v, idx[:, None], dimension_numbers=_GDN,
                      slice_sizes=(1,),
                      mode=lax.GatherScatterMode.PROMISE_IN_BOUNDS)


def _rot_i(v, idx):
    return lax.gather(v, idx[:, None], dimension_numbers=_GDN,
                      slice_sizes=(1,),
                      mode=lax.GatherScatterMode.PROMISE_IN_BOUNDS)


def _splat_sum(v, lane):
    for k in (8, 4, 2, 1):
        v = v + _rot(v, jnp.bitwise_and(lane + k, 15))
    return v


@functools.partial(
    pl.kernel,
    mesh=_mesh,
    out_type=[
        jax.ShapeDtypeStruct((2, N_PAD, H), jnp.float32),
        jax.ShapeDtypeStruct((2, N_PAD // 128, 128), jnp.float32),
    ],
    scratch_types=[
        pltpu.VMEM_SHARED((N_PAD, H), jnp.float32),
        pltpu.VMEM_SHARED((N_PAD // 128, 128), jnp.float32),
        pltpu.VMEM((CHUNK,), jnp.int32),
        pltpu.VMEM((CHUNK,), jnp.int32),
        pltpu.VMEM((CHUNK,), jnp.int32),
        pltpu.VMEM((CHUNK, H), jnp.float32),
        pltpu.VMEM((CHUNK, H), jnp.float32),
        pltpu.VMEM((CHUNK, H), jnp.float32),
        pltpu.VMEM((CHUNK, 128), jnp.float32),
        pltpu.VMEM((CHUNK,), jnp.int32),
        pltpu.SemaphoreType.DMA,
    ],
)
def _edge_kernel(src_hbm, dst_hbm, rel_hbm, ent_hbm, relemb_hbm,
                 nu_hbm, den_hbm,
                 nacc, dacc, sidx, didx, ridx, srows, rrows, drows,
                 dbuf, didxr, sem):
    cid = lax.axis_index("c")
    sid = lax.axis_index("s")
    wid = sid * 2 + cid
    lane = lax.iota(jnp.int32, 16)

    zv = jnp.zeros((16,), jnp.float32)

    def _zrow(e, _):
        for hb in range(H // 16):
            srows[e, pl.ds(hb * 16, 16)] = zv
            dbuf[e, pl.ds(hb * 16, 16)] = zv
        return 0

    lax.fori_loop(0, CHUNK, _zrow, 0)

    @pl.when(sid == 0)
    def _():
        pltpu.sync_copy(dbuf, dacc)

    def _zcp(j, _):
        rs = pl.ds(sid * ROWS_PW + j * CHUNK, CHUNK)
        pltpu.sync_copy(srows, nacc.at[rs])
        return 0

    lax.fori_loop(0, ROWS_PW // CHUNK, _zcp, 0)
    plsc.subcore_barrier()

    def _chunk(k, _):
        base = wid * EPW + k * CHUNK
        i1 = pltpu.async_copy(src_hbm.at[pl.ds(base, CHUNK)], sidx, sem)
        i2 = pltpu.async_copy(dst_hbm.at[pl.ds(base, CHUNK)], didx, sem)
        i3 = pltpu.async_copy(rel_hbm.at[pl.ds(base, CHUNK)], ridx, sem)
        i1.wait()
        i2.wait()
        i3.wait()
        g1 = pltpu.async_copy(ent_hbm.at[sidx], srows, sem)
        g2 = pltpu.async_copy(relemb_hbm.at[ridx], rrows, sem)
        g3 = pltpu.async_copy(ent_hbm.at[didx], drows, sem)
        g1.wait()
        g2.wait()
        g3.wait()

        def _edge(e, _):
            acc = jnp.zeros((16,), jnp.float32)
            for hb in range(H // 16):
                sl = pl.ds(hb * 16, 16)
                c = srows[e, sl] + rrows[e, sl]
                srows[e, sl] = c
                acc = acc + c * drows[e, sl]
            wv = jnp.exp(_splat_sum(acc, lane))
            for hb in range(H // 16):
                sl = pl.ds(hb * 16, 16)
                srows[e, sl] = srows[e, sl] * wv
            ej = jnp.bitwise_and(e, 15)
            dgv = didx[pl.ds(e - ej, 16)]
            d_vec = _rot_i(dgv, jnp.full((16,), ej, jnp.int32))
            tb = lax.shift_right_logical(jnp.bitwise_and(d_vec, 127), 4)
            tl = jnp.bitwise_and(d_vec, 15)
            lmask = 1.0 - jnp.minimum(
                jnp.bitwise_xor(lane, tl), 1).astype(jnp.float32)
            wrow = wv * lmask
            for blk in range(H // 16):
                bv = jnp.full((16,), blk, jnp.int32)
                bmask = 1.0 - jnp.minimum(
                    jnp.bitwise_xor(tb, bv), 1).astype(jnp.float32)
                dbuf[e, pl.ds(blk * 16, 16)] = wrow * bmask
            return 0

        lax.fori_loop(0, CHUNK, _edge, 0)

        def _dr(g, _):
            sl = pl.ds(g * 16, 16)
            didxr[sl] = lax.shift_right_logical(didx[sl], 7)
            return 0

        lax.fori_loop(0, CHUNK // 16, _dr, 0)

        s1 = pltpu.async_copy(srows, nacc.at[didx], sem, add=True)
        s2 = pltpu.async_copy(dbuf, dacc.at[didxr], sem, add=True)
        s1.wait()
        s2.wait()
        return 0

    lax.fori_loop(0, NCHUNK, _chunk, 0)
    plsc.subcore_barrier()

    def _rd(j, _):
        rs = pl.ds(sid * ROWS_PW + j * CHUNK, CHUNK)
        pltpu.sync_copy(nacc.at[rs], srows)
        pltpu.sync_copy(srows, nu_hbm.at[cid, rs])
        return 0

    lax.fori_loop(0, ROWS_PW // CHUNK, _rd, 0)

    @pl.when(sid == 0)
    def _():
        pltpu.sync_copy(dacc, den_hbm.at[cid])


@functools.partial(
    pl.kernel,
    mesh=_mesh,
    out_type=jax.ShapeDtypeStruct((BS, H), jnp.float32),
    scratch_types=[
        pltpu.VMEM((32,), jnp.int32),
        pltpu.VMEM((32,), jnp.int32),
        pltpu.VMEM((32, H), jnp.float32),
        pltpu.VMEM((32, H), jnp.float32),
        pltpu.SemaphoreType.DMA,
    ],
)
def _query_kernel(hid_hbm, rid_hbm, entout_hbm, relout_hbm, q_hbm,
                  hidx, ridx, hrows, rrows, sem):
    cid = lax.axis_index("c")
    sid = lax.axis_index("s")
    wid = sid * 2 + cid
    base = wid * (BS // NW)
    pltpu.sync_copy(hid_hbm.at[pl.ds(base, 32)], hidx)
    pltpu.sync_copy(rid_hbm.at[pl.ds(base, 32)], ridx)
    pltpu.async_copy(entout_hbm.at[hidx], hrows, sem).wait()
    pltpu.async_copy(relout_hbm.at[ridx], rrows, sem).wait()

    def _row(i, _):
        for hb in range(H // 16):
            sl = pl.ds(hb * 16, 16)
            hrows[i, sl] = hrows[i, sl] * rrows[i, sl]
        return 0

    lax.fori_loop(0, 32, _row, 0)
    pltpu.sync_copy(hrows, q_hbm.at[pl.ds(base, 32)])


def _entout_body(nu_ref, den_ref, w_ref, out_ref):
    nu = nu_ref[0] + nu_ref[1]
    d = den_ref[...]
    inv = jnp.where(d > 0.0, 1.0 / jnp.where(d > 0.0, d, 1.0), 0.0)
    rows = nu * inv
    out_ref[...] = jnp.tanh(
        lax.dot_general(rows, w_ref[...], (((1,), (0,)), ((), ())),
                        preferred_element_type=jnp.float32))


def _gru_body(xs_ref, wih_ref, whh_ref, bih_ref, bhh_ref, h0_ref, out_ref):
    h = h0_ref[...]
    wih = wih_ref[...]
    whh = whh_ref[...]
    bih = bih_ref[...]
    bhh = bhh_ref[...]
    for t in range(3):
        x = xs_ref[t]
        gi = lax.dot_general(x, wih, (((1,), (1,)), ((), ())),
                             preferred_element_type=jnp.float32) + bih
        gh = lax.dot_general(h, whh, (((1,), (1,)), ((), ())),
                             preferred_element_type=jnp.float32) + bhh
        r = 1.0 / (1.0 + jnp.exp(-(gi[:, 0:H] + gh[:, 0:H])))
        z = 1.0 / (1.0 + jnp.exp(-(gi[:, H:2 * H] + gh[:, H:2 * H])))
        n = jnp.tanh(gi[:, 2 * H:] + r * gh[:, 2 * H:])
        h = (1.0 - z) * n + z * h
        out_ref[t] = jnp.tanh(h)


def _score_body(q_ref, ent_ref, out_ref):
    s = lax.dot_general(q_ref[...], ent_ref[...], (((1,), (1,)), ((), ())),
                        preferred_element_type=jnp.float32)
    out_ref[...] = 1.0 / (1.0 + jnp.exp(-s))


def kernel(h_id, r_id, edge_index, rel_id, ent_emb, rel_emb, neigh_w,
           gru_w_ih, gru_w_hh, gru_b_ih, gru_b_hh, gru_h0):
    src = edge_index[0]
    dst = edge_index[1]
    nu, den = _edge_kernel(src.astype(jnp.int32), dst.astype(jnp.int32),
                           rel_id.astype(jnp.int32), ent_emb, rel_emb)
    den_vec = (den[0] + den[1]).reshape(N_PAD, 1)

    ent_out = pl.pallas_call(
        _entout_body,
        grid=(10,),
        in_specs=[
            pl.BlockSpec((2, N_PAD // 10, H), lambda i: (0, i, 0)),
            pl.BlockSpec((N_PAD // 10, 1), lambda i: (i, 0)),
            pl.BlockSpec((H, H), lambda i: (0, 0)),
        ],
        out_specs=pl.BlockSpec((N_PAD // 10, H), lambda i: (i, 0)),
        out_shape=jax.ShapeDtypeStruct((N_PAD, H), jnp.float32),
    )(nu, den_vec, neigh_w)

    xs = rel_emb[: 3 * NB, :].reshape(3, NB, H)
    rel_out = pl.pallas_call(
        _gru_body,
        out_shape=jax.ShapeDtypeStruct((3, NB, H), jnp.float32),
    )(xs, gru_w_ih, gru_w_hh, gru_b_ih.reshape(1, 3 * H),
      gru_b_hh.reshape(1, 3 * H), gru_h0).reshape(3 * NB, H)

    q = _query_kernel(h_id.astype(jnp.int32), r_id.astype(jnp.int32),
                      ent_out, rel_out)

    score = pl.pallas_call(
        _score_body,
        grid=(5,),
        in_specs=[
            pl.BlockSpec((BS, H), lambda i: (0, 0)),
            pl.BlockSpec((2048, H), lambda i: (i, 0)),
        ],
        out_specs=pl.BlockSpec((BS, 2048), lambda i: (0, i)),
        out_shape=jax.ShapeDtypeStruct((BS, N_ENT), jnp.float32),
    )(q, ent_out)
    return score

# --- scband reference (transcript-rebuilt; emitter-appended) ---
"""Pipeline reference for scband-se-gnn-24077586661955 (READ-ONLY COPY).

The authoritative reference and input builder live on the scoring server;
editing this copy changes nothing except your own understanding.
"""

import jax, jax.numpy as jnp
import numpy as np

N_ENT = 10000
N_REL = 201
H = 128
E = 320000
BS = 1024
BATCH = 3
NUM_BATCHES = (2 * N_REL) // BATCH  # 134


def setup_inputs(seed: int = 0) -> dict:
    key = jax.random.key(seed)
    ks = jax.random.split(key, 12)
    h_id = jax.random.randint(ks[0], (BS,), 0, N_ENT)
    r_id = jax.random.randint(ks[1], (BS,), 0, 2 * N_REL)
    edge_index = jax.random.randint(ks[2], (2, E), 0, N_ENT)
    rel_id = jax.random.randint(ks[3], (E,), 0, 2 * N_REL)
    ent_emb = jax.random.normal(ks[4], (N_ENT, H), dtype=jnp.float32) * 0.1
    rel_emb = jax.random.normal(ks[5], (2 * N_REL, H), dtype=jnp.float32) * 0.1
    neigh_w = jax.random.normal(ks[6], (H, H), dtype=jnp.float32) * 0.1
    gru_w_ih = jax.random.normal(ks[7], (3 * H, H), dtype=jnp.float32) * 0.1
    gru_w_hh = jax.random.normal(ks[8], (3 * H, H), dtype=jnp.float32) * 0.1
    gru_b_ih = jnp.zeros((3 * H,), dtype=jnp.float32)
    gru_b_hh = jnp.zeros((3 * H,), dtype=jnp.float32)
    gru_h0 = jax.random.normal(ks[9], (NUM_BATCHES, H), dtype=jnp.float32) * 0.1
    return {"h_id": h_id, "r_id": r_id, "edge_index": edge_index, "rel_id": rel_id,
            "ent_emb": ent_emb, "rel_emb": rel_emb, "neigh_w": neigh_w,
            "gru_w_ih": gru_w_ih, "gru_w_hh": gru_w_hh, "gru_b_ih": gru_b_ih,
            "gru_b_hh": gru_b_hh, "gru_h0": gru_h0}


def _gru_cell(x, h, w_ih, w_hh, b_ih, b_hh):
    gi = x @ w_ih.T + b_ih
    gh = h @ w_hh.T + b_hh
    i_r, i_z, i_n = jnp.split(gi, 3, axis=-1)
    h_r, h_z, h_n = jnp.split(gh, 3, axis=-1)
    r = jax.nn.sigmoid(i_r + h_r)
    z = jax.nn.sigmoid(i_z + h_z)
    n = jnp.tanh(i_n + r * h_n)
    return (1.0 - z) * n + z * h


def _rel_layer(rel_emb, gru_w_ih, gru_w_hh, gru_b_ih, gru_b_hh, gru_h0):
    # RelLayer: GRU over relation embeddings arranged as (num_batches, batch=3, H)
    rels = rel_emb[: NUM_BATCHES * BATCH, :]
    rels = rels.reshape((BATCH, NUM_BATCHES, H)).transpose((1, 0, 2))  # (nb, 3, H)
    h = gru_h0
    outs = []
    for t in range(BATCH):
        h = _gru_cell(rels[:, t, :], h, gru_w_ih, gru_w_hh, gru_b_ih, gru_b_hh)
        outs.append(h)
    output = jnp.stack(outs, axis=1)  # (nb, 3, H)
    out = output.transpose((1, 0, 2)).reshape((NUM_BATCHES * BATCH, H))
    return jnp.tanh(out)


def _structure_layer(ent_emb, rel_emb, src, dst, rel_id, neigh_w):
    # comp_op = 'add' : u_add_e
    comp = ent_emb[src] + rel_emb[rel_id]                     # (E, H)
    logits = jnp.sum(comp * ent_emb[dst], axis=-1)            # e_dot_v -> (E,)
    m = jax.ops.segment_max(logits, dst, num_segments=N_ENT)  # edge softmax by dst
    m = jnp.where(jnp.isfinite(m), m, 0.0)
    expv = jnp.exp(logits - m[dst])
    denom = jax.ops.segment_sum(expv, dst, num_segments=N_ENT)
    alpha = expv / denom[dst]
    msg = comp * alpha[:, None]
    neigh = jax.ops.segment_sum(msg, dst, num_segments=N_ENT)  # copy_e + sum
    neigh = neigh @ neigh_w
    return jnp.tanh(neigh)


def reference(h_id, r_id, edge_index, rel_id, ent_emb, rel_emb, neigh_w,
              gru_w_ih, gru_w_hh, gru_b_ih, gru_b_hh, gru_h0):
    src = edge_index[0]
    dst = edge_index[1]
    # aggregate_emb with kg_n_layer = 1 (dropout = identity at eval)
    ent_out = _structure_layer(ent_emb, rel_emb, src, dst, rel_id, neigh_w)
    rel_out = _rel_layer(rel_emb, gru_w_ih, gru_w_hh, gru_b_ih, gru_b_hh, gru_h0)
    head = ent_out[h_id]
    rel = rel_out[r_id]
    # predictor (ConvE unavailable in snippet) -> DistMult-style match vs all entities
    score = jax.nn.sigmoid((head * rel) @ ent_out.T)  # (bs, n_ent)
    return score

if __name__ == "__main__":
    import jax
    _d = setup_inputs()
    print(jax.jit(kernel)(*tuple(_d.values())))

</pallas_src>

<mosaic_0001>
#map = affine_map<(d0, d1) -> (0)>
#map1 = affine_map<(d0, d1) -> (0, 0)>
#map2 = affine_map<(d0, d1) -> (0, 0, 0)>
module attributes {stable_mosaic.version = 14 : i64} {
  func.func @_edge_kernel(%arg0: i32, %arg1: i32, %arg2: memref<320000xi32, #tpu.memory_space<hbm>>, %arg3: memref<320000xi32, #tpu.memory_space<hbm>>, %arg4: memref<320000xi32, #tpu.memory_space<hbm>>, %arg5: memref<10000x128xf32, #tpu.memory_space<hbm>>, %arg6: memref<402x128xf32, #tpu.memory_space<hbm>>, %arg7: memref<2x10240x128xf32, #tpu.memory_space<hbm>>, %arg8: memref<2x80x128xf32, #tpu.memory_space<hbm>>, %arg9: memref<10240x128xf32, #tpu.memory_space<vmem_shared>>, %arg10: memref<80x128xf32, #tpu.memory_space<vmem_shared>>, %arg11: memref<80xi32, #tpu.memory_space<vmem>>, %arg12: memref<80xi32, #tpu.memory_space<vmem>>, %arg13: memref<80xi32, #tpu.memory_space<vmem>>, %arg14: memref<80x128xf32, #tpu.memory_space<vmem>>, %arg15: memref<80x128xf32, #tpu.memory_space<vmem>>, %arg16: memref<80x128xf32, #tpu.memory_space<vmem>>, %arg17: memref<80x128xf32, #tpu.memory_space<vmem>>, %arg18: memref<80xi32, #tpu.memory_space<vmem>>, %arg19: memref<!tpu.dma_semaphore, #tpu.memory_space<semaphore_mem>>) attributes {dimension_semantics = [#tpu.dimension_semantics<core_parallel>, #tpu.dimension_semantics<subcore_parallel>], iteration_bounds = array<i64: 2, 16>, scalar_prefetch = 0 : i64, scratch_operands = 11 : i64, tpu.core_type = #tpu.core_type<sc_vector_subcore>, window_params = [{transform_indices = #map}, {transform_indices = #map}, {transform_indices = #map}, {transform_indices = #map1}, {transform_indices = #map1}, {transform_indices = #map2}, {transform_indices = #map2}]} {
    %mul3A = arith.constant 2 : i32
    %mul3A_0 = arith.muli %arg1, %mul3A : i32
    %add3A = arith.addi %mul3A_0, %arg0 : i32
    %iota3A = tpu.iota {dimensions = array<i32: 0>} : vector<16xi32>
    %broadcast_in_dim3A = arith.constant 0.000000e+00 : f32
    %broadcast_in_dim3A_1 = vector.broadcast %broadcast_in_dim3A : f32 to vector<16xf32>
    %scan3A = arith.constant 0 : i32
    %scan3A_2 = arith.constant 0 : i32
    %scan3A_3 = arith.constant 80 : i32
    %scan3A_4 = arith.addi %scan3A_2, %scan3A_3 : i32
    %scan3A_5 = arith.constant 1 : i32
    %scan3A_6 = scf.for %scan3A_37 = %scan3A_2 to %scan3A_4 step %scan3A_5 iter_args(%scan3A_38 = %scan3A) -> (i32)  : i32 {
      %swap3A = arith.index_cast %scan3A_37 : i32 to index
      %swap3A_39 = arith.constant 0 : index
      %swap3A_40 = tpu.vector_load %arg14[%swap3A, %swap3A_39] {strides = array<i32>} : memref<80x128xf32, #tpu.memory_space<vmem>>, vector<1x16xf32>,
      %swap3A_41 = vector.shape_cast %swap3A_40 : vector<1x16xf32> to vector<16xf32>
      %swap3A_42 = vector.shape_cast %broadcast_in_dim3A_1 : vector<16xf32> to vector<1x16xf32>
      tpu.vector_store %arg14[%swap3A, %swap3A_39], %swap3A_42 {strides = array<i32>} : memref<80x128xf32, #tpu.memory_space<vmem>>, vector<1x16xf32>,
      %swap3A_43 = arith.index_cast %scan3A_37 : i32 to index
      %swap3A_44 = arith.constant 0 : index
      %swap3A_45 = tpu.vector_load %arg17[%swap3A_43, %swap3A_44] {strides = array<i32>} : memref<80x128xf32, #tpu.memory_space<vmem>>, vector<1x16xf32>,
      %swap3A_46 = vector.shape_cast %swap3A_45 : vector<1x16xf32> to vector<16xf32>
      %swap3A_47 = vector.shape_cast %broadcast_in_dim3A_1 : vector<16xf32> to vector<1x16xf32>
      tpu.vector_store %arg17[%swap3A_43, %swap3A_44], %swap3A_47 {strides = array<i32>} : memref<80x128xf32, #tpu.memory_space<vmem>>, vector<1x16xf32>,
      %swap3A_48 = arith.index_cast %scan3A_37 : i32 to index
      %swap3A_49 = arith.constant 16 : index
      %swap3A_50 = tpu.vector_load %arg14[%swap3A_48, %swap3A_49] {strides = array<i32>} : memref<80x128xf32, #tpu.memory_space<vmem>>, vector<1x16xf32>,
      %swap3A_51 = vector.shape_cast %swap3A_50 : vector<1x16xf32> to vector<16xf32>
      %swap3A_52 = vector.shape_cast %broadcast_in_dim3A_1 : vector<16xf32> to vector<1x16xf32>
      tpu.vector_store %arg14[%swap3A_48, %swap3A_49], %swap3A_52 {strides = array<i32>} : memref<80x128xf32, #tpu.memory_space<vmem>>, vector<1x16xf32>,
      %swap3A_53 = arith.index_cast %scan3A_37 : i32 to index
      %swap3A_54 = arith.constant 16 : index
      %swap3A_55 = tpu.vector_load %arg17[%swap3A_53, %swap3A_54] {strides = array<i32>} : memref<80x128xf32, #tpu.memory_space<vmem>>, vector<1x16xf32>,
      %swap3A_56 = vector.shape_cast %swap3A_55 : vector<1x16xf32> to vector<16xf32>
      %swap3A_57 = vector.shape_cast %broadcast_in_dim3A_1 : vector<16xf32> to vector<1x16xf32>
      tpu.vector_store %arg17[%swap3A_53, %swap3A_54], %swap3A_57 {strides = array<i32>} : memref<80x128xf32, #tpu.memory_space<vmem>>, vector<1x16xf32>,
      %swap3A_58 = arith.index_cast %scan3A_37 : i32 to index
      %swap3A_59 = arith.constant 32 : index
      %swap3A_60 = tpu.vector_load %arg14[%swap3A_58, %swap3A_59] {strides = array<i32>} : memref<80x128xf32, #tpu.memory_space<vmem>>, vector<1x16xf32>,
      %swap3A_61 = vector.shape_cast %swap3A_60 : vector<1x16xf32> to vector<16xf32>
      %swap3A_62 = vector.shape_cast %broadcast_in_dim3A_1 : vector<16xf32> to vector<1x16xf32>
      tpu.vector_store %arg14[%swap3A_58, %swap3A_59], %swap3A_62 {strides = array<i32>} : memref<80x128xf32, #tpu.memory_space<vmem>>, vector<1x16xf32>,
      %swap3A_63 = arith.index_cast %scan3A_37 : i32 to index
      %swap3A_64 = arith.constant 32 : index
      %swap3A_65 = tpu.vector_load %arg17[%swap3A_63, %swap3A_64] {strides = array<i32>} : memref<80x128xf32, #tpu.memory_space<vmem>>, vector<1x16xf32>,
      %swap3A_66 = vector.shape_cast %swap3A_65 : vector<1x16xf32> to vector<16xf32>
      %swap3A_67 = vector.shape_cast %broadcast_in_dim3A_1 : vector<16xf32> to vector<1x16xf32>
      tpu.vector_store %arg17[%swap3A_63, %swap3A_64], %swap3A_67 {strides = array<i32>} : memref<80x128xf32, #tpu.memory_space<vmem>>, vector<1x16xf32>,
      %swap3A_68 = arith.index_cast %scan3A_37 : i32 to index
      %swap3A_69 = arith.constant 48 : index
      %swap3A_70 = tpu.vector_load %arg14[%swap3A_68, %swap3A_69] {strides = array<i32>} : memref<80x128xf32, #tpu.memory_space<vmem>>, vector<1x16xf32>,
      %swap3A_71 = vector.shape_cast %swap3A_70 : vector<1x16xf32> to vector<16xf32>
      %swap3A_72 = vector.shape_cast %broadcast_in_dim3A_1 : vector<16xf32> to vector<1x16xf32>
      tpu.vector_store %arg14[%swap3A_68, %swap3A_69], %swap3A_72 {strides = array<i32>} : memref<80x128xf32, #tpu.memory_space<vmem>>, vector<1x16xf32>,
      %swap3A_73 = arith.index_cast %scan3A_37 : i32 to index
      %swap3A_74 = arith.constant 48 : index
      %swap3A_75 = tpu.vector_load %arg17[%swap3A_73, %swap3A_74] {strides = array<i32>} : memref<80x128xf32, #tpu.memory_space<vmem>>, vector<1x16xf32>,
      %swap3A_76 = vector.shape_cast %swap3A_75 : vector<1x16xf32> to vector<16xf32>
      %swap3A_77 = vector.shape_cast %broadcast_in_dim3A_1 : vector<16xf32> to vector<1x16xf32>
      tpu.vector_store %arg17[%swap3A_73, %swap3A_74], %swap3A_77 {strides = array<i32>} : memref<80x128xf32, #tpu.memory_space<vmem>>, vector<1x16xf32>,
      %swap3A_78 = arith.index_cast %scan3A_37 : i32 to index
      %swap3A_79 = arith.constant 64 : index
      %swap3A_80 = tpu.vector_load %arg14[%swap3A_78, %swap3A_79] {strides = array<i32>} : memref<80x128xf32, #tpu.memory_space<vmem>>, vector<1x16xf32>,
      %swap3A_81 = vector.shape_cast %swap3A_80 : vector<1x16xf32> to vector<16xf32>
      %swap3A_82 = vector.shape_cast %broadcast_in_dim3A_1 : vector<16xf32> to vector<1x16xf32>
      tpu.vector_store %arg14[%swap3A_78, %swap3A_79], %swap3A_82 {strides = array<i32>} : memref<80x128xf32, #tpu.memory_space<vmem>>, vector<1x16xf32>,
      %swap3A_83 = arith.index_cast %scan3A_37 : i32 to index
      %swap3A_84 = arith.constant 64 : index
      %swap3A_85 = tpu.vector_load %arg17[%swap3A_83, %swap3A_84] {strides = array<i32>} : memref<80x128xf32, #tpu.memory_space<vmem>>, vector<1x16xf32>,
      %swap3A_86 = vector.shape_cast %swap3A_85 : vector<1x16xf32> to vector<16xf32>
      %swap3A_87 = vector.shape_cast %broadcast_in_dim3A_1 : vector<16xf32> to vector<1x16xf32>
      tpu.vector_store %arg17[%swap3A_83, %swap3A_84], %swap3A_87 {strides = array<i32>} : memref<80x128xf32, #tpu.memory_space<vmem>>, vector<1x16xf32>,
      %swap3A_88 = arith.index_cast %scan3A_37 : i32 to index
      %swap3A_89 = arith.constant 80 : index
      %swap3A_90 = tpu.vector_load %arg14[%swap3A_88, %swap3A_89] {strides = array<i32>} : memref<80x128xf32, #tpu.memory_space<vmem>>, vector<1x16xf32>,
      %swap3A_91 = vector.shape_cast %swap3A_90 : vector<1x16xf32> to vector<16xf32>
      %swap3A_92 = vector.shape_cast %broadcast_in_dim3A_1 : vector<16xf32> to vector<1x16xf32>
      tpu.vector_store %arg14[%swap3A_88, %swap3A_89], %swap3A_92 {strides = array<i32>} : memref<80x128xf32, #tpu.memory_space<vmem>>, vector<1x16xf32>,
      %swap3A_93 = arith.index_cast %scan3A_37 : i32 to index
      %swap3A_94 = arith.constant 80 : index
      %swap3A_95 = tpu.vector_load %arg17[%swap3A_93, %swap3A_94] {strides = array<i32>} : memref<80x128xf32, #tpu.memory_space<vmem>>, vector<1x16xf32>,
      %swap3A_96 = vector.shape_cast %swap3A_95 : vector<1x16xf32> to vector<16xf32>
      %swap3A_97 = vector.shape_cast %broadcast_in_dim3A_1 : vector<16xf32> to vector<1x16xf32>
      tpu.vector_store %arg17[%swap3A_93, %swap3A_94], %swap3A_97 {strides = array<i32>} : memref<80x128xf32, #tpu.memory_space<vmem>>, vector<1x16xf32>,
      %swap3A_98 = arith.index_cast %scan3A_37 : i32 to index
      %swap3A_99 = arith.constant 96 : index
      %swap3A_100 = tpu.vector_load %arg14[%swap3A_98, %swap3A_99] {strides = array<i32>} : memref<80x128xf32, #tpu.memory_space<vmem>>, vector<1x16xf32>,
      %swap3A_101 = vector.shape_cast %swap3A_100 : vector<1x16xf32> to vector<16xf32>
      %swap3A_102 = vector.shape_cast %broadcast_in_dim3A_1 : vector<16xf32> to vector<1x16xf32>
      tpu.vector_store %arg14[%swap3A_98, %swap3A_99], %swap3A_102 {strides = array<i32>} : memref<80x128xf32, #tpu.memory_space<vmem>>, vector<1x16xf32>,
      %swap3A_103 = arith.index_cast %scan3A_37 : i32 to index
      %swap3A_104 = arith.constant 96 : index
      %swap3A_105 = tpu.vector_load %arg17[%swap3A_103, %swap3A_104] {strides = array<i32>} : memref<80x128xf32, #tpu.memory_space<vmem>>, vector<1x16xf32>,
      %swap3A_106 = vector.shape_cast %swap3A_105 : vector<1x16xf32> to vector<16xf32>
      %swap3A_107 = vector.shape_cast %broadcast_in_dim3A_1 : vector<16xf32> to vector<1x16xf32>
      tpu.vector_store %arg17[%swap3A_103, %swap3A_104], %swap3A_107 {strides = array<i32>} : memref<80x128xf32, #tpu.memory_space<vmem>>, vector<1x16xf32>,
      %swap3A_108 = arith.index_cast %scan3A_37 : i32 to index
      %swap3A_109 = arith.constant 112 : index
      %swap3A_110 = tpu.vector_load %arg14[%swap3A_108, %swap3A_109] {strides = array<i32>} : memref<80x128xf32, #tpu.memory_space<vmem>>, vector<1x16xf32>,
      %swap3A_111 = vector.shape_cast %swap3A_110 : vector<1x16xf32> to vector<16xf32>
      %swap3A_112 = vector.shape_cast %broadcast_in_dim3A_1 : vector<16xf32> to vector<1x16xf32>
      tpu.vector_store %arg14[%swap3A_108, %swap3A_109], %swap3A_112 {strides = array<i32>} : memref<80x128xf32, #tpu.memory_space<vmem>>, vector<1x16xf32>,
      %swap3A_113 = arith.index_cast %scan3A_37 : i32 to index
      %swap3A_114 = arith.constant 112 : index
      %swap3A_115 = tpu.vector_load %arg17[%swap3A_113, %swap3A_114] {strides = array<i32>} : memref<80x128xf32, #tpu.memory_space<vmem>>, vector<1x16xf32>,
      %swap3A_116 = vector.shape_cast %swap3A_115 : vector<1x16xf32> to vector<16xf32>
      %swap3A_117 = vector.shape_cast %broadcast_in_dim3A_1 : vector<16xf32> to vector<1x16xf32>
      tpu.vector_store %arg17[%swap3A_113, %swap3A_114], %swap3A_117 {strides = array<i32>} : memref<80x128xf32, #tpu.memory_space<vmem>>, vector<1x16xf32>,
      %scan3A_118 = arith.constant 0 : i32
      scf.yield %scan3A_118 : i32
    }
    %scan3A_7 = arith.constant 80 : i32
    %eq3A = arith.constant 0 : i32
    %eq3A_8 = arith.cmpi eq, %arg1, %eq3A : i32
    %convert_element_type3A = arith.extui %eq3A_8 : i1 to i32
    %cond3A = arith.constant 0 : i32
    %cond3A_9 = arith.cmpi ne, %convert_element_type3A, %cond3A : i32
    scf.if %cond3A_9 {
      "tpu.region"() ({
        %run_scoped3A = tpu.sem_alloc : memref<!tpu.dma_semaphore, #tpu.memory_space<semaphore_mem>>
        tpu.enqueue_dma source(%arg17 : memref<80x128xf32, #tpu.memory_space<vmem>>) target(%arg10 : memref<80x128xf32, #tpu.memory_space<vmem_shared>>) target_semaphore(%run_scoped3A : memref<!tpu.dma_semaphore, #tpu.memory_space<semaphore_mem>>)
        tpu.wait_dma2 semaphore(%run_scoped3A : memref<!tpu.dma_semaphore, #tpu.memory_space<semaphore_mem>>) src(%arg17 : memref<80x128xf32, #tpu.memory_space<vmem>>) dst(%arg10 : memref<80x128xf32, #tpu.memory_space<vmem_shared>>)
        tpu.yield
      }) : () -> ()
    } else {
    }
    %scan3A_10 = arith.constant 0 : i32
    %scan3A_11 = arith.constant 0 : i32
    %scan3A_12 = arith.constant 8 : i32
    %scan3A_13 = arith.addi %scan3A_11, %scan3A_12 : i32
    %scan3A_14 = arith.constant 1 : i32
    %scan3A_15 = scf.for %scan3A_37 = %scan3A_11 to %scan3A_13 step %scan3A_14 iter_args(%scan3A_38 = %scan3A_10) -> (i32)  : i32 {
      %mul3A_39 = arith.constant 640 : i32
      %mul3A_40 = arith.muli %arg1, %mul3A_39 : i32
      %mul3A_41 = arith.constant 80 : i32
      %mul3A_42 = arith.muli %scan3A_37, %mul3A_41 : i32
      %add3A_43 = arith.addi %mul3A_40, %mul3A_42 : i32
      "tpu.region"() ({
        %run_scoped3A = tpu.sem_alloc : memref<!tpu.dma_semaphore, #tpu.memory_space<semaphore_mem>>
        %dma_start3A = arith.constant 0 : i32
        %dma_start3A_45 = tpu.memref_slice %arg9[%add3A_43, %dma_start3A] : memref<10240x128xf32, #tpu.memory_space<vmem_shared>> -> memref<80x128xf32, #tpu.memory_space<vmem_shared>>
        %dma_start3A_46 = arith.constant 0 : i32
        %dma_start3A_47 = tpu.memref_slice %arg9[%add3A_43, %dma_start3A_46] : memref<10240x128xf32, #tpu.memory_space<vmem_shared>> -> memref<80x128xf32, #tpu.memory_space<vmem_shared>>
        tpu.enqueue_dma source(%arg14 : memref<80x128xf32, #tpu.memory_space<vmem>>) target(%dma_start3A_47 : memref<80x128xf32, #tpu.memory_space<vmem_shared>>) target_semaphore(%run_scoped3A : memref<!tpu.dma_semaphore, #tpu.memory_space<semaphore_mem>>)
        %dma_wait3A = arith.constant 0 : i32
        %dma_wait3A_48 = tpu.memref_slice %arg9[%add3A_43, %dma_wait3A] : memref<10240x128xf32, #tpu.memory_space<vmem_shared>> -> memref<80x128xf32, #tpu.memory_space<vmem_shared>>
        %dma_wait3A_49 = arith.constant 0 : i32
        %dma_wait3A_50 = tpu.memref_slice %arg9[%add3A_43, %dma_wait3A_49] : memref<10240x128xf32, #tpu.memory_space<vmem_shared>> -> memref<80x128xf32, #tpu.memory_space<vmem_shared>>
        tpu.wait_dma2 semaphore(%run_scoped3A : memref<!tpu.dma_semaphore, #tpu.memory_space<semaphore_mem>>) src(%arg14 : memref<80x128xf32, #tpu.memory_space<vmem>>) dst(%dma_wait3A_50 : memref<80x128xf32, #tpu.memory_space<vmem_shared>>)
        tpu.yield
      }) : () -> ()
      %scan3A_44 = arith.constant 0 : i32
      scf.yield %scan3A_44 : i32
    }
    %scan3A_16 = arith.constant 8 : i32
    %barrier3A = arith.constant 0 : index
    tpu.barrier barrier_id(%barrier3A)
    %scan3A_17 = arith.constant 0 : i32
    %scan3A_18 = arith.constant 0 : i32
    %scan3A_19 = arith.constant 125 : i32
    %scan3A_20 = arith.addi %scan3A_18, %scan3A_19 : i32
    %scan3A_21 = arith.constant 1 : i32
    %scan3A_22 = scf.for %scan3A_37 = %scan3A_18 to %scan3A_20 step %scan3A_21 iter_args(%scan3A_38 = %scan3A_17) -> (i32)  : i32 {
      %mul3A_39 = arith.constant 10000 : i32
      %mul3A_40 = arith.muli %add3A, %mul3A_39 : i32
      %mul3A_41 = arith.constant 80 : i32
      %mul3A_42 = arith.muli %scan3A_37, %mul3A_41 : i32
      %add3A_43 = arith.addi %mul3A_40, %mul3A_42 : i32
      %dma_start3A = tpu.memref_slice %arg2[%add3A_43] : memref<320000xi32, #tpu.memory_space<hbm>> -> memref<80xi32, #tpu.memory_space<hbm>>
      %dma_start3A_44 = tpu.memref_slice %arg2[%add3A_43] : memref<320000xi32, #tpu.memory_space<hbm>> -> memref<80xi32, #tpu.memory_space<hbm>>
      tpu.enqueue_dma source(%dma_start3A_44 : memref<80xi32, #tpu.memory_space<hbm>>) target(%arg11 : memref<80xi32, #tpu.memory_space<vmem>>) target_semaphore(%arg19 : memref<!tpu.dma_semaphore, #tpu.memory_space<semaphore_mem>>)
      %dma_start3A_45 = tpu.memref_slice %arg3[%add3A_43] : memref<320000xi32, #tpu.memory_space<hbm>> -> memref<80xi32, #tpu.memory_space<hbm>>
      %dma_start3A_46 = tpu.memref_slice %arg3[%add3A_43] : memref<320000xi32, #tpu.memory_space<hbm>> -> memref<80xi32, #tpu.memory_space<hbm>>
      tpu.enqueue_dma source(%dma_start3A_46 : memref<80xi32, #tpu.memory_space<hbm>>) target(%arg12 : memref<80xi32, #tpu.memory_space<vmem>>) target_semaphore(%arg19 : memref<!tpu.dma_semaphore, #tpu.memory_space<semaphore_mem>>)
      %dma_start3A_47 = tpu.memref_slice %arg4[%add3A_43] : memref<320000xi32, #tpu.memory_space<hbm>> -> memref<80xi32, #tpu.memory_space<hbm>>
      %dma_start3A_48 = tpu.memref_slice %arg4[%add3A_43] : memref<320000xi32, #tpu.memory_space<hbm>> -> memref<80xi32, #tpu.memory_space<hbm>>
      tpu.enqueue_dma source(%dma_start3A_48 : memref<80xi32, #tpu.memory_space<hbm>>) target(%arg13 : memref<80xi32, #tpu.memory_space<vmem>>) target_semaphore(%arg19 : memref<!tpu.dma_semaphore, #tpu.memory_space<semaphore_mem>>)
      %dma_wait3A = tpu.memref_slice %arg2[%add3A_43] : memref<320000xi32, #tpu.memory_space<hbm>> -> memref<80xi32, #tpu.memory_space<hbm>>
      %dma_wait3A_49 = tpu.memref_slice %arg2[%add3A_43] : memref<320000xi32, #tpu.memory_space<hbm>> -> memref<80xi32, #tpu.memory_space<hbm>>
      tpu.wait_dma2 semaphore(%arg19 : memref<!tpu.dma_semaphore, #tpu.memory_space<semaphore_mem>>) src(%dma_wait3A_49 : memref<80xi32, #tpu.memory_space<hbm>>) dst(%arg11 : memref<80xi32, #tpu.memory_space<vmem>>)
      %dma_wait3A_50 = tpu.memref_slice %arg3[%add3A_43] : memref<320000xi32, #tpu.memory_space<hbm>> -> memref<80xi32, #tpu.memory_space<hbm>>
      %dma_wait3A_51 = tpu.memref_slice %arg3[%add3A_43] : memref<320000xi32, #tpu.memory_space<hbm>> -> memref<80xi32, #tpu.memory_space<hbm>>
      tpu.wait_dma2 semaphore(%arg19 : memref<!tpu.dma_semaphore, #tpu.memory_space<semaphore_mem>>) src(%dma_wait3A_51 : memref<80xi32, #tpu.memory_space<hbm>>) dst(%arg12 : memref<80xi32, #tpu.memory_space<vmem>>)
      %dma_wait3A_52 = tpu.memref_slice %arg4[%add3A_43] : memref<320000xi32, #tpu.memory_space<hbm>> -> memref<80xi32, #tpu.memory_space<hbm>>
      %dma_wait3A_53 = tpu.memref_slice %arg4[%add3A_43] : memref<320000xi32, #tpu.memory_space<hbm>> -> memref<80xi32, #tpu.memory_space<hbm>>
      tpu.wait_dma2 semaphore(%arg19 : memref<!tpu.dma_semaphore, #tpu.memory_space<semaphore_mem>>) src(%dma_wait3A_53 : memref<80xi32, #tpu.memory_space<hbm>>) dst(%arg13 : memref<80xi32, #tpu.memory_space<vmem>>)
      %dma_start3A_54 = arith.constant 0 : i32
      %dma_start3A_55 = arith.constant 0 : i32
      %dma_start3A_56 = tpu.memref_slice %arg5[%dma_start3A_54, %dma_start3A_55] : memref<10000x128xf32, #tpu.memory_space<hbm>> -> memref<10000x128xf32, #tpu.memory_space<hbm>>
      tpu.enqueue_indirect_dma source(%dma_start3A_56 : memref<10000x128xf32, #tpu.memory_space<hbm>>) target(%arg14 : memref<80x128xf32, #tpu.memory_space<vmem>>) offsets(%arg11 : memref<80xi32, #tpu.memory_space<vmem>>) semaphore(%arg19 : memref<!tpu.dma_semaphore, #tpu.memory_space<semaphore_mem>>)
      %dma_start3A_57 = arith.constant 0 : i32
      %dma_start3A_58 = arith.constant 0 : i32
      %dma_start3A_59 = tpu.memref_slice %arg6[%dma_start3A_57, %dma_start3A_58] : memref<402x128xf32, #tpu.memory_space<hbm>> -> memref<402x128xf32, #tpu.memory_space<hbm>>
      tpu.enqueue_indirect_dma source(%dma_start3A_59 : memref<402x128xf32, #tpu.memory_space<hbm>>) target(%arg15 : memref<80x128xf32, #tpu.memory_space<vmem>>) offsets(%arg13 : memref<80xi32, #tpu.memory_space<vmem>>) semaphore(%arg19 : memref<!tpu.dma_semaphore, #tpu.memory_space<semaphore_mem>>)
      %dma_start3A_60 = arith.constant 0 : i32
      %dma_start3A_61 = arith.constant 0 : i32
      %dma_start3A_62 = tpu.memref_slice %arg5[%dma_start3A_60, %dma_start3A_61] : memref<10000x128xf32, #tpu.memory_space<hbm>> -> memref<10000x128xf32, #tpu.memory_space<hbm>>
      tpu.enqueue_indirect_dma source(%dma_start3A_62 : memref<10000x128xf32, #tpu.memory_space<hbm>>) target(%arg16 : memref<80x128xf32, #tpu.memory_space<vmem>>) offsets(%arg12 : memref<80xi32, #tpu.memory_space<vmem>>) semaphore(%arg19 : memref<!tpu.dma_semaphore, #tpu.memory_space<semaphore_mem>>)
      %dma_wait3A_63 = arith.constant 0 : i32
      %dma_wait3A_64 = arith.constant 0 : i32
      %dma_wait3A_65 = tpu.memref_slice %arg5[%dma_wait3A_63, %dma_wait3A_64] : memref<10000x128xf32, #tpu.memory_space<hbm>> -> memref<10000x128xf32, #tpu.memory_space<hbm>>
      tpu.wait_indirect_dma semaphore(%arg19 : memref<!tpu.dma_semaphore, #tpu.memory_space<semaphore_mem>>) src(%dma_wait3A_65 : memref<10000x128xf32, #tpu.memory_space<hbm>>) dst(%arg14 : memref<80x128xf32, #tpu.memory_space<vmem>>)
      %dma_wait3A_66 = arith.constant 0 : i32
      %dma_wait3A_67 = arith.constant 0 : i32
      %dma_wait3A_68 = tpu.memref_slice %arg6[%dma_wait3A_66, %dma_wait3A_67] : memref<402x128xf32, #tpu.memory_space<hbm>> -> memref<402x128xf32, #tpu.memory_space<hbm>>
      tpu.wait_indirect_dma semaphore(%arg19 : memref<!tpu.dma_semaphore, #tpu.memory_space<semaphore_mem>>) src(%dma_wait3A_68 : memref<402x128xf32, #tpu.memory_space<hbm>>) dst(%arg15 : memref<80x128xf32, #tpu.memory_space<vmem>>)
      %dma_wait3A_69 = arith.constant 0 : i32
      %dma_wait3A_70 = arith.constant 0 : i32
      %dma_wait3A_71 = tpu.memref_slice %arg5[%dma_wait3A_69, %dma_wait3A_70] : memref<10000x128xf32, #tpu.memory_space<hbm>> -> memref<10000x128xf32, #tpu.memory_space<hbm>>
      tpu.wait_indirect_dma semaphore(%arg19 : memref<!tpu.dma_semaphore, #tpu.memory_space<semaphore_mem>>) src(%dma_wait3A_71 : memref<10000x128xf32, #tpu.memory_space<hbm>>) dst(%arg16 : memref<80x128xf32, #tpu.memory_space<vmem>>)
      %scan3A_72 = arith.constant 0 : i32
      %scan3A_73 = arith.constant 0 : i32
      %scan3A_74 = arith.constant 80 : i32
      %scan3A_75 = arith.addi %scan3A_73, %scan3A_74 : i32
      %scan3A_76 = arith.constant 1 : i32
      %scan3A_77 = scf.for %scan3A_99 = %scan3A_73 to %scan3A_75 step %scan3A_76 iter_args(%scan3A_100 = %scan3A_72) -> (i32)  : i32 {
        %broadcast_in_dim3A_101 = arith.constant 0.000000e+00 : f32
        %broadcast_in_dim3A_102 = vector.broadcast %broadcast_in_dim3A_101 : f32 to vector<16xf32>
        %get3A = arith.index_cast %scan3A_99 : i32 to index
        %get3A_103 = arith.constant 0 : index
        %get3A_104 = tpu.vector_load %arg14[%get3A, %get3A_103] {strides = array<i32>} : memref<80x128xf32, #tpu.memory_space<vmem>>, vector<1x16xf32>,
        %get3A_105 = vector.shape_cast %get3A_104 : vector<1x16xf32> to vector<16xf32>
        %get3A_106 = arith.index_cast %scan3A_99 : i32 to index
        %get3A_107 = arith.constant 0 : index
        %get3A_108 = tpu.vector_load %arg15[%get3A_106, %get3A_107] {strides = array<i32>} : memref<80x128xf32, #tpu.memory_space<vmem>>, vector<1x16xf32>,
        %get3A_109 = vector.shape_cast %get3A_108 : vector<1x16xf32> to vector<16xf32>
        %add3A_110 = arith.addf %get3A_105, %get3A_109 : vector<16xf32>
        %swap3A = arith.index_cast %scan3A_99 : i32 to index
        %swap3A_111 = arith.constant 0 : index
        %swap3A_112 = tpu.vector_load %arg14[%swap3A, %swap3A_111] {strides = array<i32>} : memref<80x128xf32, #tpu.memory_space<vmem>>, vector<1x16xf32>,
        %swap3A_113 = vector.shape_cast %swap3A_112 : vector<1x16xf32> to vector<16xf32>
        %swap3A_114 = vector.shape_cast %add3A_110 : vector<16xf32> to vector<1x16xf32>
        tpu.vector_store %arg14[%swap3A, %swap3A_111], %swap3A_114 {strides = array<i32>} : memref<80x128xf32, #tpu.memory_space<vmem>>, vector<1x16xf32>,
        %get3A_115 = arith.index_cast %scan3A_99 : i32 to index
        %get3A_116 = arith.constant 0 : index
        %get3A_117 = tpu.vector_load %arg16[%get3A_115, %get3A_116] {strides = array<i32>} : memref<80x128xf32, #tpu.memory_space<vmem>>, vector<1x16xf32>,
        %get3A_118 = vector.shape_cast %get3A_117 : vector<1x16xf32> to vector<16xf32>
        %mul3A_119 = arith.mulf %add3A_110, %get3A_118 : vector<16xf32>
        %add3A_120 = arith.addf %broadcast_in_dim3A_102, %mul3A_119 : vector<16xf32>
        %get3A_121 = arith.index_cast %scan3A_99 : i32 to index
        %get3A_122 = arith.constant 16 : index
        %get3A_123 = tpu.vector_load %arg14[%get3A_121, %get3A_122] {strides = array<i32>} : memref<80x128xf32, #tpu.memory_space<vmem>>, vector<1x16xf32>,
        %get3A_124 = vector.shape_cast %get3A_123 : vector<1x16xf32> to vector<16xf32>
        %get3A_125 = arith.index_cast %scan3A_99 : i32 to index
        %get3A_126 = arith.constant 16 : index
        %get3A_127 = tpu.vector_load %arg15[%get3A_125, %get3A_126] {strides = array<i32>} : memref<80x128xf32, #tpu.memory_space<vmem>>, vector<1x16xf32>,
        %get3A_128 = vector.shape_cast %get3A_127 : vector<1x16xf32> to vector<16xf32>
        %add3A_129 = arith.addf %get3A_124, %get3A_128 : vector<16xf32>
        %swap3A_130 = arith.index_cast %scan3A_99 : i32 to index
        %swap3A_131 = arith.constant 16 : index
        %swap3A_132 = tpu.vector_load %arg14[%swap3A_130, %swap3A_131] {strides = array<i32>} : memref<80x128xf32, #tpu.memory_space<vmem>>, vector<1x16xf32>,
        %swap3A_133 = vector.shape_cast %swap3A_132 : vector<1x16xf32> to vector<16xf32>
        %swap3A_134 = vector.shape_cast %add3A_129 : vector<16xf32> to vector<1x16xf32>
        tpu.vector_store %arg14[%swap3A_130, %swap3A_131], %swap3A_134 {strides = array<i32>} : memref<80x128xf32, #tpu.memory_space<vmem>>, vector<1x16xf32>,
        %get3A_135 = arith.index_cast %scan3A_99 : i32 to index
        %get3A_136 = arith.constant 16 : index
        %get3A_137 = tpu.vector_load %arg16[%get3A_135, %get3A_136] {strides = array<i32>} : memref<80x128xf32, #tpu.memory_space<vmem>>, vector<1x16xf32>,
        %get3A_138 = vector.shape_cast %get3A_137 : vector<1x16xf32> to vector<16xf32>
        %mul3A_139 = arith.mulf %add3A_129, %get3A_138 : vector<16xf32>
        %add3A_140 = arith.addf %add3A_120, %mul3A_139 : vector<16xf32>
        %get3A_141 = arith.index_cast %scan3A_99 : i32 to index
        %get3A_142 = arith.constant 32 : index
        %get3A_143 = tpu.vector_load %arg14[%get3A_141, %get3A_142] {strides = array<i32>} : memref<80x128xf32, #tpu.memory_space<vmem>>, vector<1x16xf32>,
        %get3A_144 = vector.shape_cast %get3A_143 : vector<1x16xf32> to vector<16xf32>
        %get3A_145 = arith.index_cast %scan3A_99 : i32 to index
        %get3A_146 = arith.constant 32 : index
        %get3A_147 = tpu.vector_load %arg15[%get3A_145, %get3A_146] {strides = array<i32>} : memref<80x128xf32, #tpu.memory_space<vmem>>, vector<1x16xf32>,
        %get3A_148 = vector.shape_cast %get3A_147 : vector<1x16xf32> to vector<16xf32>
        %add3A_149 = arith.addf %get3A_144, %get3A_148 : vector<16xf32>
        %swap3A_150 = arith.index_cast %scan3A_99 : i32 to index
        %swap3A_151 = arith.constant 32 : index
        %swap3A_152 = tpu.vector_load %arg14[%swap3A_150, %swap3A_151] {strides = array<i32>} : memref<80x128xf32, #tpu.memory_space<vmem>>, vector<1x16xf32>,
        %swap3A_153 = vector.shape_cast %swap3A_152 : vector<1x16xf32> to vector<16xf32>
        %swap3A_154 = vector.shape_cast %add3A_149 : vector<16xf32> to vector<1x16xf32>
        tpu.vector_store %arg14[%swap3A_150, %swap3A_151], %swap3A_154 {strides = array<i32>} : memref<80x128xf32, #tpu.memory_space<vmem>>, vector<1x16xf32>,
        %get3A_155 = arith.index_cast %scan3A_99 : i32 to index
        %get3A_156 = arith.constant 32 : index
        %get3A_157 = tpu.vector_load %arg16[%get3A_155, %get3A_156] {strides = array<i32>} : memref<80x128xf32, #tpu.memory_space<vmem>>, vector<1x16xf32>,
        %get3A_158 = vector.shape_cast %get3A_157 : vector<1x16xf32> to vector<16xf32>
        %mul3A_159 = arith.mulf %add3A_149, %get3A_158 : vector<16xf32>
        %add3A_160 = arith.addf %add3A_140, %mul3A_159 : vector<16xf32>
        %get3A_161 = arith.index_cast %scan3A_99 : i32 to index
        %get3A_162 = arith.constant 48 : index
        %get3A_163 = tpu.vector_load %arg14[%get3A_161, %get3A_162] {strides = array<i32>} : memref<80x128xf32, #tpu.memory_space<vmem>>, vector<1x16xf32>,
        %get3A_164 = vector.shape_cast %get3A_163 : vector<1x16xf32> to vector<16xf32>
        %get3A_165 = arith.index_cast %scan3A_99 : i32 to index
        %get3A_166 = arith.constant 48 : index
        %get3A_167 = tpu.vector_load %arg15[%get3A_165, %get3A_166] {strides = array<i32>} : memref<80x128xf32, #tpu.memory_space<vmem>>, vector<1x16xf32>,
        %get3A_168 = vector.shape_cast %get3A_167 : vector<1x16xf32> to vector<16xf32>
        %add3A_169 = arith.addf %get3A_164, %get3A_168 : vector<16xf32>
        %swap3A_170 = arith.index_cast %scan3A_99 : i32 to index
        %swap3A_171 = arith.constant 48 : index
        %swap3A_172 = tpu.vector_load %arg14[%swap3A_170, %swap3A_171] {strides = array<i32>} : memref<80x128xf32, #tpu.memory_space<vmem>>, vector<1x16xf32>,
        %swap3A_173 = vector.shape_cast %swap3A_172 : vector<1x16xf32> to vector<16xf32>
        %swap3A_174 = vector.shape_cast %add3A_169 : vector<16xf32> to vector<1x16xf32>
        tpu.vector_store %arg14[%swap3A_170, %swap3A_171], %swap3A_174 {strides = array<i32>} : memref<80x128xf32, #tpu.memory_space<vmem>>, vector<1x16xf32>,
        %get3A_175 = arith.index_cast %scan3A_99 : i32 to index
        %get3A_176 = arith.constant 48 : index
        %get3A_177 = tpu.vector_load %arg16[%get3A_175, %get3A_176] {strides = array<i32>} : memref<80x128xf32, #tpu.memory_space<vmem>>, vector<1x16xf32>,
        %get3A_178 = vector.shape_cast %get3A_177 : vector<1x16xf32> to vector<16xf32>
        %mul3A_179 = arith.mulf %add3A_169, %get3A_178 : vector<16xf32>
        %add3A_180 = arith.addf %add3A_160, %mul3A_179 : vector<16xf32>
        %get3A_181 = arith.index_cast %scan3A_99 : i32 to index
        %get3A_182 = arith.constant 64 : index
        %get3A_183 = tpu.vector_load %arg14[%get3A_181, %get3A_182] {strides = array<i32>} : memref<80x128xf32, #tpu.memory_space<vmem>>, vector<1x16xf32>,
        %get3A_184 = vector.shape_cast %get3A_183 : vector<1x16xf32> to vector<16xf32>
        %get3A_185 = arith.index_cast %scan3A_99 : i32 to index
        %get3A_186 = arith.constant 64 : index
        %get3A_187 = tpu.vector_load %arg15[%get3A_185, %get3A_186] {strides = array<i32>} : memref<80x128xf32, #tpu.memory_space<vmem>>, vector<1x16xf32>,
        %get3A_188 = vector.shape_cast %get3A_187 : vector<1x16xf32> to vector<16xf32>
        %add3A_189 = arith.addf %get3A_184, %get3A_188 : vector<16xf32>
        %swap3A_190 = arith.index_cast %scan3A_99 : i32 to index
        %swap3A_191 = arith.constant 64 : index
        %swap3A_192 = tpu.vector_load %arg14[%swap3A_190, %swap3A_191] {strides = array<i32>} : memref<80x128xf32, #tpu.memory_space<vmem>>, vector<1x16xf32>,
        %swap3A_193 = vector.shape_cast %swap3A_192 : vector<1x16xf32> to vector<16xf32>
        %swap3A_194 = vector.shape_cast %add3A_189 : vector<16xf32> to vector<1x16xf32>
        tpu.vector_store %arg14[%swap3A_190, %swap3A_191], %swap3A_194 {strides = array<i32>} : memref<80x128xf32, #tpu.memory_space<vmem>>, vector<1x16xf32>,
        %get3A_195 = arith.index_cast %scan3A_99 : i32 to index
        %get3A_196 = arith.constant 64 : index
        %get3A_197 = tpu.vector_load %arg16[%get3A_195, %get3A_196] {strides = array<i32>} : memref<80x128xf32, #tpu.memory_space<vmem>>, vector<1x16xf32>,
        %get3A_198 = vector.shape_cast %get3A_197 : vector<1x16xf32> to vector<16xf32>
        %mul3A_199 = arith.mulf %add3A_189, %get3A_198 : vector<16xf32>
        %add3A_200 = arith.addf %add3A_180, %mul3A_199 : vector<16xf32>
        %get3A_201 = arith.index_cast %scan3A_99 : i32 to index
        %get3A_202 = arith.constant 80 : index
        %get3A_203 = tpu.vector_load %arg14[%get3A_201, %get3A_202] {strides = array<i32>} : memref<80x128xf32, #tpu.memory_space<vmem>>, vector<1x16xf32>,
        %get3A_204 = vector.shape_cast %get3A_203 : vector<1x16xf32> to vector<16xf32>
        %get3A_205 = arith.index_cast %scan3A_99 : i32 to index
        %get3A_206 = arith.constant 80 : index
        %get3A_207 = tpu.vector_load %arg15[%get3A_205, %get3A_206] {strides = array<i32>} : memref<80x128xf32, #tpu.memory_space<vmem>>, vector<1x16xf32>,
        %get3A_208 = vector.shape_cast %get3A_207 : vector<1x16xf32> to vector<16xf32>
        %add3A_209 = arith.addf %get3A_204, %get3A_208 : vector<16xf32>
        %swap3A_210 = arith.index_cast %scan3A_99 : i32 to index
        %swap3A_211 = arith.constant 80 : index
        %swap3A_212 = tpu.vector_load %arg14[%swap3A_210, %swap3A_211] {strides = array<i32>} : memref<80x128xf32, #tpu.memory_space<vmem>>, vector<1x16xf32>,
        %swap3A_213 = vector.shape_cast %swap3A_212 : vector<1x16xf32> to vector<16xf32>
        %swap3A_214 = vector.shape_cast %add3A_209 : vector<16xf32> to vector<1x16xf32>
        tpu.vector_store %arg14[%swap3A_210, %swap3A_211], %swap3A_214 {strides = array<i32>} : memref<80x128xf32, #tpu.memory_space<vmem>>, vector<1x16xf32>,
        %get3A_215 = arith.index_cast %scan3A_99 : i32 to index
        %get3A_216 = arith.constant 80 : index
        %get3A_217 = tpu.vector_load %arg16[%get3A_215, %get3A_216] {strides = array<i32>} : memref<80x128xf32, #tpu.memory_space<vmem>>, vector<1x16xf32>,
        %get3A_218 = vector.shape_cast %get3A_217 : vector<1x16xf32> to vector<16xf32>
        %mul3A_219 = arith.mulf %add3A_209, %get3A_218 : vector<16xf32>
        %add3A_220 = arith.addf %add3A_200, %mul3A_219 : vector<16xf32>
        %get3A_221 = arith.index_cast %scan3A_99 : i32 to index
        %get3A_222 = arith.constant 96 : index
        %get3A_223 = tpu.vector_load %arg14[%get3A_221, %get3A_222] {strides = array<i32>} : memref<80x128xf32, #tpu.memory_space<vmem>>, vector<1x16xf32>,
        %get3A_224 = vector.shape_cast %get3A_223 : vector<1x16xf32> to vector<16xf32>
        %get3A_225 = arith.index_cast %scan3A_99 : i32 to index
        %get3A_226 = arith.constant 96 : index
        %get3A_227 = tpu.vector_load %arg15[%get3A_225, %get3A_226] {strides = array<i32>} : memref<80x128xf32, #tpu.memory_space<vmem>>, vector<1x16xf32>,
        %get3A_228 = vector.shape_cast %get3A_227 : vector<1x16xf32> to vector<16xf32>
        %add3A_229 = arith.addf %get3A_224, %get3A_228 : vector<16xf32>
        %swap3A_230 = arith.index_cast %scan3A_99 : i32 to index
        %swap3A_231 = arith.constant 96 : index
        %swap3A_232 = tpu.vector_load %arg14[%swap3A_230, %swap3A_231] {strides = array<i32>} : memref<80x128xf32, #tpu.memory_space<vmem>>, vector<1x16xf32>,
        %swap3A_233 = vector.shape_cast %swap3A_232 : vector<1x16xf32> to vector<16xf32>
        %swap3A_234 = vector.shape_cast %add3A_229 : vector<16xf32> to vector<1x16xf32>
        tpu.vector_store %arg14[%swap3A_230, %swap3A_231], %swap3A_234 {strides = array<i32>} : memref<80x128xf32, #tpu.memory_space<vmem>>, vector<1x16xf32>,
        %get3A_235 = arith.index_cast %scan3A_99 : i32 to index
        %get3A_236 = arith.constant 96 : index
        %get3A_237 = tpu.vector_load %arg16[%get3A_235, %get3A_236] {strides = array<i32>} : memref<80x128xf32, #tpu.memory_space<vmem>>, vector<1x16xf32>,
        %get3A_238 = vector.shape_cast %get3A_237 : vector<1x16xf32> to vector<16xf32>
        %mul3A_239 = arith.mulf %add3A_229, %get3A_238 : vector<16xf32>
        %add3A_240 = arith.addf %add3A_220, %mul3A_239 : vector<16xf32>
        %get3A_241 = arith.index_cast %scan3A_99 : i32 to index
        %get3A_242 = arith.constant 112 : index
        %get3A_243 = tpu.vector_load %arg14[%get3A_241, %get3A_242] {strides = array<i32>} : memref<80x128xf32, #tpu.memory_space<vmem>>, vector<1x16xf32>,
        %get3A_244 = vector.shape_cast %get3A_243 : vector<1x16xf32> to vector<16xf32>
        %get3A_245 = arith.index_cast %scan3A_99 : i32 to index
        %get3A_246 = arith.constant 112 : index
        %get3A_247 = tpu.vector_load %arg15[%get3A_245, %get3A_246] {strides = array<i32>} : memref<80x128xf32, #tpu.memory_space<vmem>>, vector<1x16xf32>,
        %get3A_248 = vector.shape_cast %get3A_247 : vector<1x16xf32> to vector<16xf32>
        %add3A_249 = arith.addf %get3A_244, %get3A_248 : vector<16xf32>
        %swap3A_250 = arith.index_cast %scan3A_99 : i32 to index
        %swap3A_251 = arith.constant 112 : index
        %swap3A_252 = tpu.vector_load %arg14[%swap3A_250, %swap3A_251] {strides = array<i32>} : memref<80x128xf32, #tpu.memory_space<vmem>>, vector<1x16xf32>,
        %swap3A_253 = vector.shape_cast %swap3A_252 : vector<1x16xf32> to vector<16xf32>
        %swap3A_254 = vector.shape_cast %add3A_249 : vector<16xf32> to vector<1x16xf32>
        tpu.vector_store %arg14[%swap3A_250, %swap3A_251], %swap3A_254 {strides = array<i32>} : memref<80x128xf32, #tpu.memory_space<vmem>>, vector<1x16xf32>,
        %get3A_255 = arith.index_cast %scan3A_99 : i32 to index
        %get3A_256 = arith.constant 112 : index
        %get3A_257 = tpu.vector_load %arg16[%get3A_255, %get3A_256] {strides = array<i32>} : memref<80x128xf32, #tpu.memory_space<vmem>>, vector<1x16xf32>,
        %get3A_258 = vector.shape_cast %get3A_257 : vector<1x16xf32> to vector<16xf32>
        %mul3A_259 = arith.mulf %add3A_249, %get3A_258 : vector<16xf32>
        %add3A_260 = arith.addf %add3A_240, %mul3A_259 : vector<16xf32>
        %add3A_261 = arith.constant 8 : i32
        %add3A_262 = vector.broadcast %add3A_261 : i32 to vector<16xi32>
        %add3A_263 = arith.addi %iota3A, %add3A_262 : vector<16xi32>
        %and3A = arith.constant 15 : i32
        %and3A_264 = vector.broadcast %and3A : i32 to vector<16xi32>
        %and3A_265 = arith.andi %add3A_263, %and3A_264 : vector<16xi32>
        %broadcast_in_dim3A_266 = vector.shape_cast %and3A_265 : vector<16xi32> to vector<16x1xi32>
        %gather3A = vector.shape_cast %broadcast_in_dim3A_266 : vector<16x1xi32> to vector<16xi32>
        %gather3A_267 = tpu.dynamic_gather %add3A_260[%gather3A] in [0] : vector<16xf32>, vector<16xi32> -> vector<16xf32>
        %add3A_268 = arith.addf %add3A_260, %gather3A_267 : vector<16xf32>
        %add3A_269 = arith.constant 4 : i32
        %add3A_270 = vector.broadcast %add3A_269 : i32 to vector<16xi32>
        %add3A_271 = arith.addi %iota3A, %add3A_270 : vector<16xi32>
        %and3A_272 = arith.constant 15 : i32
        %and3A_273 = vector.broadcast %and3A_272 : i32 to vector<16xi32>
        %and3A_274 = arith.andi %add3A_271, %and3A_273 : vector<16xi32>
        %broadcast_in_dim3A_275 = vector.shape_cast %and3A_274 : vector<16xi32> to vector<16x1xi32>
        %gather3A_276 = vector.shape_cast %broadcast_in_dim3A_275 : vector<16x1xi32> to vector<16xi32>
        %gather3A_277 = tpu.dynamic_gather %add3A_268[%gather3A_276] in [0] : vector<16xf32>, vector<16xi32> -> vector<16xf32>
        %add3A_278 = arith.addf %add3A_268, %gather3A_277 : vector<16xf32>
        %add3A_279 = arith.constant 2 : i32
        %add3A_280 = vector.broadcast %add3A_279 : i32 to vector<16xi32>
        %add3A_281 = arith.addi %iota3A, %add3A_280 : vector<16xi32>
        %and3A_282 = arith.constant 15 : i32
        %and3A_283 = vector.broadcast %and3A_282 : i32 to vector<16xi32>
        %and3A_284 = arith.andi %add3A_281, %and3A_283 : vector<16xi32>
        %broadcast_in_dim3A_285 = vector.shape_cast %and3A_284 : vector<16xi32> to vector<16x1xi32>
        %gather3A_286 = vector.shape_cast %broadcast_in_dim3A_285 : vector<16x1xi32> to vector<16xi32>
        %gather3A_287 = tpu.dynamic_gather %add3A_278[%gather3A_286] in [0] : vector<16xf32>, vector<16xi32> -> vector<16xf32>
        %add3A_288 = arith.addf %add3A_278, %gather3A_287 : vector<16xf32>
        %add3A_289 = arith.constant 1 : i32
        %add3A_290 = vector.broadcast %add3A_289 : i32 to vector<16xi32>
        %add3A_291 = arith.addi %iota3A, %add3A_290 : vector<16xi32>
        %and3A_292 = arith.constant 15 : i32
        %and3A_293 = vector.broadcast %and3A_292 : i32 to vector<16xi32>
        %and3A_294 = arith.andi %add3A_291, %and3A_293 : vector<16xi32>
        %broadcast_in_dim3A_295 = vector.shape_cast %and3A_294 : vector<16xi32> to vector<16x1xi32>
        %gather3A_296 = vector.shape_cast %broadcast_in_dim3A_295 : vector<16x1xi32> to vector<16xi32>
        %gather3A_297 = tpu.dynamic_gather %add3A_288[%gather3A_296] in [0] : vector<16xf32>, vector<16xi32> -> vector<16xf32>
        %add3A_298 = arith.addf %add3A_288, %gather3A_297 : vector<16xf32>
        %exp3A = math.exp %add3A_298 : vector<16xf32>
        %get3A_299 = arith.index_cast %scan3A_99 : i32 to index
        %get3A_300 = arith.constant 0 : index
        %get3A_301 = tpu.vector_load %arg14[%get3A_299, %get3A_300] {strides = array<i32>} : memref<80x128xf32, #tpu.memory_space<vmem>>, vector<1x16xf32>,
        %get3A_302 = vector.shape_cast %get3A_301 : vector<1x16xf32> to vector<16xf32>
        %mul3A_303 = arith.mulf %get3A_302, %exp3A : vector<16xf32>
        %swap3A_304 = arith.index_cast %scan3A_99 : i32 to index
        %swap3A_305 = arith.constant 0 : index
        %swap3A_306 = tpu.vector_load %arg14[%swap3A_304, %swap3A_305] {strides = array<i32>} : memref<80x128xf32, #tpu.memory_space<vmem>>, vector<1x16xf32>,
        %swap3A_307 = vector.shape_cast %swap3A_306 : vector<1x16xf32> to vector<16xf32>
        %swap3A_308 = vector.shape_cast %mul3A_303 : vector<16xf32> to vector<1x16xf32>
        tpu.vector_store %arg14[%swap3A_304, %swap3A_305], %swap3A_308 {strides = array<i32>} : memref<80x128xf32, #tpu.memory_space<vmem>>, vector<1x16xf32>,
        %get3A_309 = arith.index_cast %scan3A_99 : i32 to index
        %get3A_310 = arith.constant 16 : index
        %get3A_311 = tpu.vector_load %arg14[%get3A_309, %get3A_310] {strides = array<i32>} : memref<80x128xf32, #tpu.memory_space<vmem>>, vector<1x16xf32>,
        %get3A_312 = vector.shape_cast %get3A_311 : vector<1x16xf32> to vector<16xf32>
        %mul3A_313 = arith.mulf %get3A_312, %exp3A : vector<16xf32>
        %swap3A_314 = arith.index_cast %scan3A_99 : i32 to index
        %swap3A_315 = arith.constant 16 : index
        %swap3A_316 = tpu.vector_load %arg14[%swap3A_314, %swap3A_315] {strides = array<i32>} : memref<80x128xf32, #tpu.memory_space<vmem>>, vector<1x16xf32>,
        %swap3A_317 = vector.shape_cast %swap3A_316 : vector<1x16xf32> to vector<16xf32>
        %swap3A_318 = vector.shape_cast %mul3A_313 : vector<16xf32> to vector<1x16xf32>
        tpu.vector_store %arg14[%swap3A_314, %swap3A_315], %swap3A_318 {strides = array<i32>} : memref<80x128xf32, #tpu.memory_space<vmem>>, vector<1x16xf32>,
        %get3A_319 = arith.index_cast %scan3A_99 : i32 to index
        %get3A_320 = arith.constant 32 : index
        %get3A_321 = tpu.vector_load %arg14[%get3A_319, %get3A_320] {strides = array<i32>} : memref<80x128xf32, #tpu.memory_space<vmem>>, vector<1x16xf32>,
        %get3A_322 = vector.shape_cast %get3A_321 : vector<1x16xf32> to vector<16xf32>
        %mul3A_323 = arith.mulf %get3A_322, %exp3A : vector<16xf32>
        %swap3A_324 = arith.index_cast %scan3A_99 : i32 to index
        %swap3A_325 = arith.constant 32 : index
        %swap3A_326 = tpu.vector_load %arg14[%swap3A_324, %swap3A_325] {strides = array<i32>} : memref<80x128xf32, #tpu.memory_space<vmem>>, vector<1x16xf32>,
        %swap3A_327 = vector.shape_cast %swap3A_326 : vector<1x16xf32> to vector<16xf32>
        %swap3A_328 = vector.shape_cast %mul3A_323 : vector<16xf32> to vector<1x16xf32>
        tpu.vector_store %arg14[%swap3A_324, %swap3A_325], %swap3A_328 {strides = array<i32>} : memref<80x128xf32, #tpu.memory_space<vmem>>, vector<1x16xf32>,
        %get3A_329 = arith.index_cast %scan3A_99 : i32 to index
        %get3A_330 = arith.constant 48 : index
        %get3A_331 = tpu.vector_load %arg14[%get3A_329, %get3A_330] {strides = array<i32>} : memref<80x128xf32, #tpu.memory_space<vmem>>, vector<1x16xf32>,
        %get3A_332 = vector.shape_cast %get3A_331 : vector<1x16xf32> to vector<16xf32>
        %mul3A_333 = arith.mulf %get3A_332, %exp3A : vector<16xf32>
        %swap3A_334 = arith.index_cast %scan3A_99 : i32 to index
        %swap3A_335 = arith.constant 48 : index
        %swap3A_336 = tpu.vector_load %arg14[%swap3A_334, %swap3A_335] {strides = array<i32>} : memref<80x128xf32, #tpu.memory_space<vmem>>, vector<1x16xf32>,
        %swap3A_337 = vector.shape_cast %swap3A_336 : vector<1x16xf32> to vector<16xf32>
        %swap3A_338 = vector.shape_cast %mul3A_333 : vector<16xf32> to vector<1x16xf32>
        tpu.vector_store %arg14[%swap3A_334, %swap3A_335], %swap3A_338 {strides = array<i32>} : memref<80x128xf32, #tpu.memory_space<vmem>>, vector<1x16xf32>,
        %get3A_339 = arith.index_cast %scan3A_99 : i32 to index
        %get3A_340 = arith.constant 64 : index
        %get3A_341 = tpu.vector_load %arg14[%get3A_339, %get3A_340] {strides = array<i32>} : memref<80x128xf32, #tpu.memory_space<vmem>>, vector<1x16xf32>,
        %get3A_342 = vector.shape_cast %get3A_341 : vector<1x16xf32> to vector<16xf32>
        %mul3A_343 = arith.mulf %get3A_342, %exp3A : vector<16xf32>
        %swap3A_344 = arith.index_cast %scan3A_99 : i32 to index
        %swap3A_345 = arith.constant 64 : index
        %swap3A_346 = tpu.vector_load %arg14[%swap3A_344, %swap3A_345] {strides = array<i32>} : memref<80x128xf32, #tpu.memory_space<vmem>>, vector<1x16xf32>,
        %swap3A_347 = vector.shape_cast %swap3A_346 : vector<1x16xf32> to vector<16xf32>
        %swap3A_348 = vector.shape_cast %mul3A_343 : vector<16xf32> to vector<1x16xf32>
        tpu.vector_store %arg14[%swap3A_344, %swap3A_345], %swap3A_348 {strides = array<i32>} : memref<80x128xf32, #tpu.memory_space<vmem>>, vector<1x16xf32>,
        %get3A_349 = arith.index_cast %scan3A_99 : i32 to index
        %get3A_350 = arith.constant 80 : index
        %get3A_351 = tpu.vector_load %arg14[%get3A_349, %get3A_350] {strides = array<i32>} : memref<80x128xf32, #tpu.memory_space<vmem>>, vector<1x16xf32>,
        %get3A_352 = vector.shape_cast %get3A_351 : vector<1x16xf32> to vector<16xf32>
        %mul3A_353 = arith.mulf %get3A_352, %exp3A : vector<16xf32>
        %swap3A_354 = arith.index_cast %scan3A_99 : i32 to index
        %swap3A_355 = arith.constant 80 : index
        %swap3A_356 = tpu.vector_load %arg14[%swap3A_354, %swap3A_355] {strides = array<i32>} : memref<80x128xf32, #tpu.memory_space<vmem>>, vector<1x16xf32>,
        %swap3A_357 = vector.shape_cast %swap3A_356 : vector<1x16xf32> to vector<16xf32>
        %swap3A_358 = vector.shape_cast %mul3A_353 : vector<16xf32> to vector<1x16xf32>
        tpu.vector_store %arg14[%swap3A_354, %swap3A_355], %swap3A_358 {strides = array<i32>} : memref<80x128xf32, #tpu.memory_space<vmem>>, vector<1x16xf32>,
        %get3A_359 = arith.index_cast %scan3A_99 : i32 to index
        %get3A_360 = arith.constant 96 : index
        %get3A_361 = tpu.vector_load %arg14[%get3A_359, %get3A_360] {strides = array<i32>} : memref<80x128xf32, #tpu.memory_space<vmem>>, vector<1x16xf32>,
        %get3A_362 = vector.shape_cast %get3A_361 : vector<1x16xf32> to vector<16xf32>
        %mul3A_363 = arith.mulf %get3A_362, %exp3A : vector<16xf32>
        %swap3A_364 = arith.index_cast %scan3A_99 : i32 to index
        %swap3A_365 = arith.constant 96 : index
        %swap3A_366 = tpu.vector_load %arg14[%swap3A_364, %swap3A_365] {strides = array<i32>} : memref<80x128xf32, #tpu.memory_space<vmem>>, vector<1x16xf32>,
        %swap3A_367 = vector.shape_cast %swap3A_366 : vector<1x16xf32> to vector<16xf32>
        %swap3A_368 = vector.shape_cast %mul3A_363 : vector<16xf32> to vector<1x16xf32>
        tpu.vector_store %arg14[%swap3A_364, %swap3A_365], %swap3A_368 {strides = array<i32>} : memref<80x128xf32, #tpu.memory_space<vmem>>, vector<1x16xf32>,
        %get3A_369 = arith.index_cast %scan3A_99 : i32 to index
        %get3A_370 = arith.constant 112 : index
        %get3A_371 = tpu.vector_load %arg14[%get3A_369, %get3A_370] {strides = array<i32>} : memref<80x128xf32, #tpu.memory_space<vmem>>, vector<1x16xf32>,
        %get3A_372 = vector.shape_cast %get3A_371 : vector<1x16xf32> to vector<16xf32>
        %mul3A_373 = arith.mulf %get3A_372, %exp3A : vector<16xf32>
        %swap3A_374 = arith.index_cast %scan3A_99 : i32 to index
        %swap3A_375 = arith.constant 112 : index
        %swap3A_376 = tpu.vector_load %arg14[%swap3A_374, %swap3A_375] {strides = array<i32>} : memref<80x128xf32, #tpu.memory_space<vmem>>, vector<1x16xf32>,
        %swap3A_377 = vector.shape_cast %swap3A_376 : vector<1x16xf32> to vector<16xf32>
        %swap3A_378 = vector.shape_cast %mul3A_373 : vector<16xf32> to vector<1x16xf32>
        tpu.vector_store %arg14[%swap3A_374, %swap3A_375], %swap3A_378 {strides = array<i32>} : memref<80x128xf32, #tpu.memory_space<vmem>>, vector<1x16xf32>,
        %and3A_379 = arith.constant 15 : i32
        %and3A_380 = arith.andi %scan3A_99, %and3A_379 : i32
        %sub3A = arith.subi %scan3A_99, %and3A_380 : i32
        %get3A_381 = arith.index_cast %sub3A : i32 to index
        %get3A_382 = tpu.vector_load %arg12[%get3A_381] {strides = array<i32>} : memref<80xi32, #tpu.memory_space<vmem>>, vector<16xi32>,
        %get3A_383 = vector.shape_cast %get3A_382 : vector<16xi32> to vector<16xi32>
        %broadcast_in_dim3A_384 = vector.broadcast %and3A_380 : i32 to vector<16xi32>
        %broadcast_in_dim3A_385 = vector.shape_cast %broadcast_in_dim3A_384 : vector<16xi32> to vector<16x1xi32>
        %gather3A_386 = vector.shape_cast %broadcast_in_dim3A_385 : vector<16x1xi32> to vector<16xi32>
        %gather3A_387 = tpu.dynamic_gather %get3A_383[%gather3A_386] in [0] : vector<16xi32>, vector<16xi32> -> vector<16xi32>
        %and3A_388 = arith.constant 127 : i32
        %and3A_389 = vector.broadcast %and3A_388 : i32 to vector<16xi32>
        %and3A_390 = arith.andi %gather3A_387, %and3A_389 : vector<16xi32>
        %shift_right_logical3A = arith.constant 4 : i32
        %shift_right_logical3A_391 = vector.broadcast %shift_right_logical3A : i32 to vector<16xi32>
        %shift_right_logical3A_392 = arith.shrui %and3A_390, %shift_right_logical3A_391 : vector<16xi32>
        %and3A_393 = arith.constant 15 : i32
        %and3A_394 = vector.broadcast %and3A_393 : i32 to vector<16xi32>
        %and3A_395 = arith.andi %gather3A_387, %and3A_394 : vector<16xi32>
        %xor3A = arith.xori %iota3A, %and3A_395 : vector<16xi32>
        %min3A = arith.constant 1 : i32
        %min3A_396 = vector.broadcast %min3A : i32 to vector<16xi32>
        %min3A_397 = arith.minsi %xor3A, %min3A_396 : vector<16xi32>
        %convert_element_type3A_398 = arith.sitofp %min3A_397 : vector<16xi32> to vector<16xf32>
        %sub3A_399 = arith.constant 1.000000e+00 : f32
        %sub3A_400 = vector.broadcast %sub3A_399 : f32 to vector<16xf32>
        %sub3A_401 = arith.subf %sub3A_400, %convert_element_type3A_398 : vector<16xf32>
        %mul3A_402 = arith.mulf %exp3A, %sub3A_401 : vector<16xf32>
        %broadcast_in_dim3A_403 = arith.constant 0 : i32
        %broadcast_in_dim3A_404 = vector.broadcast %broadcast_in_dim3A_403 : i32 to vector<16xi32>
        %xor3A_405 = arith.xori %shift_right_logical3A_392, %broadcast_in_dim3A_404 : vector<16xi32>
        %min3A_406 = arith.constant 1 : i32
        %min3A_407 = vector.broadcast %min3A_406 : i32 to vector<16xi32>
        %min3A_408 = arith.minsi %xor3A_405, %min3A_407 : vector<16xi32>
        %convert_element_type3A_409 = arith.sitofp %min3A_408 : vector<16xi32> to vector<16xf32>
        %sub3A_410 = arith.constant 1.000000e+00 : f32
        %sub3A_411 = vector.broadcast %sub3A_410 : f32 to vector<16xf32>
        %sub3A_412 = arith.subf %sub3A_411, %convert_element_type3A_409 : vector<16xf32>
        %mul3A_413 = arith.mulf %mul3A_402, %sub3A_412 : vector<16xf32>
        %swap3A_414 = arith.index_cast %scan3A_99 : i32 to index
        %swap3A_415 = arith.constant 0 : index
        %swap3A_416 = tpu.vector_load %arg17[%swap3A_414, %swap3A_415] {strides = array<i32>} : memref<80x128xf32, #tpu.memory_space<vmem>>, vector<1x16xf32>,
        %swap3A_417 = vector.shape_cast %swap3A_416 : vector<1x16xf32> to vector<16xf32>
        %swap3A_418 = vector.shape_cast %mul3A_413 : vector<16xf32> to vector<1x16xf32>
        tpu.vector_store %arg17[%swap3A_414, %swap3A_415], %swap3A_418 {strides = array<i32>} : memref<80x128xf32, #tpu.memory_space<vmem>>, vector<1x16xf32>,
        %broadcast_in_dim3A_419 = arith.constant 1 : i32
        %broadcast_in_dim3A_420 = vector.broadcast %broadcast_in_dim3A_419 : i32 to vector<16xi32>
        %xor3A_421 = arith.xori %shift_right_logical3A_392, %broadcast_in_dim3A_420 : vector<16xi32>
        %min3A_422 = arith.constant 1 : i32
        %min3A_423 = vector.broadcast %min3A_422 : i32 to vector<16xi32>
        %min3A_424 = arith.minsi %xor3A_421, %min3A_423 : vector<16xi32>
        %convert_element_type3A_425 = arith.sitofp %min3A_424 : vector<16xi32> to vector<16xf32>
        %sub3A_426 = arith.constant 1.000000e+00 : f32
        %sub3A_427 = vector.broadcast %sub3A_426 : f32 to vector<16xf32>
        %sub3A_428 = arith.subf %sub3A_427, %convert_element_type3A_425 : vector<16xf32>
        %mul3A_429 = arith.mulf %mul3A_402, %sub3A_428 : vector<16xf32>
        %swap3A_430 = arith.index_cast %scan3A_99 : i32 to index
        %swap3A_431 = arith.constant 16 : index
        %swap3A_432 = tpu.vector_load %arg17[%swap3A_430, %swap3A_431] {strides = array<i32>} : memref<80x128xf32, #tpu.memory_space<vmem>>, vector<1x16xf32>,
        %swap3A_433 = vector.shape_cast %swap3A_432 : vector<1x16xf32> to vector<16xf32>
        %swap3A_434 = vector.shape_cast %mul3A_429 : vector<16xf32> to vector<1x16xf32>
        tpu.vector_store %arg17[%swap3A_430, %swap3A_431], %swap3A_434 {strides = array<i32>} : memref<80x128xf32, #tpu.memory_space<vmem>>, vector<1x16xf32>,
        %broadcast_in_dim3A_435 = arith.constant 2 : i32
        %broadcast_in_dim3A_436 = vector.broadcast %broadcast_in_dim3A_435 : i32 to vector<16xi32>
        %xor3A_437 = arith.xori %shift_right_logical3A_392, %broadcast_in_dim3A_436 : vector<16xi32>
        %min3A_438 = arith.constant 1 : i32
        %min3A_439 = vector.broadcast %min3A_438 : i32 to vector<16xi32>
        %min3A_440 = arith.minsi %xor3A_437, %min3A_439 : vector<16xi32>
        %convert_element_type3A_441 = arith.sitofp %min3A_440 : vector<16xi32> to vector<16xf32>
        %sub3A_442 = arith.constant 1.000000e+00 : f32
        %sub3A_443 = vector.broadcast %sub3A_442 : f32 to vector<16xf32>
        %sub3A_444 = arith.subf %sub3A_443, %convert_element_type3A_441 : vector<16xf32>
        %mul3A_445 = arith.mulf %mul3A_402, %sub3A_444 : vector<16xf32>
        %swap3A_446 = arith.index_cast %scan3A_99 : i32 to index
        %swap3A_447 = arith.constant 32 : index
        %swap3A_448 = tpu.vector_load %arg17[%swap3A_446, %swap3A_447] {strides = array<i32>} : memref<80x128xf32, #tpu.memory_space<vmem>>, vector<1x16xf32>,
        %swap3A_449 = vector.shape_cast %swap3A_448 : vector<1x16xf32> to vector<16xf32>
        %swap3A_450 = vector.shape_cast %mul3A_445 : vector<16xf32> to vector<1x16xf32>
        tpu.vector_store %arg17[%swap3A_446, %swap3A_447], %swap3A_450 {strides = array<i32>} : memref<80x128xf32, #tpu.memory_space<vmem>>, vector<1x16xf32>,
        %broadcast_in_dim3A_451 = arith.constant 3 : i32
        %broadcast_in_dim3A_452 = vector.broadcast %broadcast_in_dim3A_451 : i32 to vector<16xi32>
        %xor3A_453 = arith.xori %shift_right_logical3A_392, %broadcast_in_dim3A_452 : vector<16xi32>
        %min3A_454 = arith.constant 1 : i32
        %min3A_455 = vector.broadcast %min3A_454 : i32 to vector<16xi32>
        %min3A_456 = arith.minsi %xor3A_453, %min3A_455 : vector<16xi32>
        %convert_element_type3A_457 = arith.sitofp %min3A_456 : vector<16xi32> to vector<16xf32>
        %sub3A_458 = arith.constant 1.000000e+00 : f32
        %sub3A_459 = vector.broadcast %sub3A_458 : f32 to vector<16xf32>
        %sub3A_460 = arith.subf %sub3A_459, %convert_element_type3A_457 : vector<16xf32>
        %mul3A_461 = arith.mulf %mul3A_402, %sub3A_460 : vector<16xf32>
        %swap3A_462 = arith.index_cast %scan3A_99 : i32 to index
        %swap3A_463 = arith.constant 48 : index
        %swap3A_464 = tpu.vector_load %arg17[%swap3A_462, %swap3A_463] {strides = array<i32>} : memref<80x128xf32, #tpu.memory_space<vmem>>, vector<1x16xf32>,
        %swap3A_465 = vector.shape_cast %swap3A_464 : vector<1x16xf32> to vector<16xf32>
        %swap3A_466 = vector.shape_cast %mul3A_461 : vector<16xf32> to vector<1x16xf32>
        tpu.vector_store %arg17[%swap3A_462, %swap3A_463], %swap3A_466 {strides = array<i32>} : memref<80x128xf32, #tpu.memory_space<vmem>>, vector<1x16xf32>,
        %broadcast_in_dim3A_467 = arith.constant 4 : i32
        %broadcast_in_dim3A_468 = vector.broadcast %broadcast_in_dim3A_467 : i32 to vector<16xi32>
        %xor3A_469 = arith.xori %shift_right_logical3A_392, %broadcast_in_dim3A_468 : vector<16xi32>
        %min3A_470 = arith.constant 1 : i32
        %min3A_471 = vector.broadcast %min3A_470 : i32 to vector<16xi32>
        %min3A_472 = arith.minsi %xor3A_469, %min3A_471 : vector<16xi32>
        %convert_element_type3A_473 = arith.sitofp %min3A_472 : vector<16xi32> to vector<16xf32>
        %sub3A_474 = arith.constant 1.000000e+00 : f32
        %sub3A_475 = vector.broadcast %sub3A_474 : f32 to vector<16xf32>
        %sub3A_476 = arith.subf %sub3A_475, %convert_element_type3A_473 : vector<16xf32>
        %mul3A_477 = arith.mulf %mul3A_402, %sub3A_476 : vector<16xf32>
        %swap3A_478 = arith.index_cast %scan3A_99 : i32 to index
        %swap3A_479 = arith.constant 64 : index
        %swap3A_480 = tpu.vector_load %arg17[%swap3A_478, %swap3A_479] {strides = array<i32>} : memref<80x128xf32, #tpu.memory_space<vmem>>, vector<1x16xf32>,
        %swap3A_481 = vector.shape_cast %swap3A_480 : vector<1x16xf32> to vector<16xf32>
        %swap3A_482 = vector.shape_cast %mul3A_477 : vector<16xf32> to vector<1x16xf32>
        tpu.vector_store %arg17[%swap3A_478, %swap3A_479], %swap3A_482 {strides = array<i32>} : memref<80x128xf32, #tpu.memory_space<vmem>>, vector<1x16xf32>,
        %broadcast_in_dim3A_483 = arith.constant 5 : i32
        %broadcast_in_dim3A_484 = vector.broadcast %broadcast_in_dim3A_483 : i32 to vector<16xi32>
        %xor3A_485 = arith.xori %shift_right_logical3A_392, %broadcast_in_dim3A_484 : vector<16xi32>
        %min3A_486 = arith.constant 1 : i32
        %min3A_487 = vector.broadcast %min3A_486 : i32 to vector<16xi32>
        %min3A_488 = arith.minsi %xor3A_485, %min3A_487 : vector<16xi32>
        %convert_element_type3A_489 = arith.sitofp %min3A_488 : vector<16xi32> to vector<16xf32>
        %sub3A_490 = arith.constant 1.000000e+00 : f32
        %sub3A_491 = vector.broadcast %sub3A_490 : f32 to vector<16xf32>
        %sub3A_492 = arith.subf %sub3A_491, %convert_element_type3A_489 : vector<16xf32>
        %mul3A_493 = arith.mulf %mul3A_402, %sub3A_492 : vector<16xf32>
        %swap3A_494 = arith.index_cast %scan3A_99 : i32 to index
        %swap3A_495 = arith.constant 80 : index
        %swap3A_496 = tpu.vector_load %arg17[%swap3A_494, %swap3A_495] {strides = array<i32>} : memref<80x128xf32, #tpu.memory_space<vmem>>, vector<1x16xf32>,
        %swap3A_497 = vector.shape_cast %swap3A_496 : vector<1x16xf32> to vector<16xf32>
        %swap3A_498 = vector.shape_cast %mul3A_493 : vector<16xf32> to vector<1x16xf32>
        tpu.vector_store %arg17[%swap3A_494, %swap3A_495], %swap3A_498 {strides = array<i32>} : memref<80x128xf32, #tpu.memory_space<vmem>>, vector<1x16xf32>,
        %broadcast_in_dim3A_499 = arith.constant 6 : i32
        %broadcast_in_dim3A_500 = vector.broadcast %broadcast_in_dim3A_499 : i32 to vector<16xi32>
        %xor3A_501 = arith.xori %shift_right_logical3A_392, %broadcast_in_dim3A_500 : vector<16xi32>
        %min3A_502 = arith.constant 1 : i32
        %min3A_503 = vector.broadcast %min3A_502 : i32 to vector<16xi32>
        %min3A_504 = arith.minsi %xor3A_501, %min3A_503 : vector<16xi32>
        %convert_element_type3A_505 = arith.sitofp %min3A_504 : vector<16xi32> to vector<16xf32>
        %sub3A_506 = arith.constant 1.000000e+00 : f32
        %sub3A_507 = vector.broadcast %sub3A_506 : f32 to vector<16xf32>
        %sub3A_508 = arith.subf %sub3A_507, %convert_element_type3A_505 : vector<16xf32>
        %mul3A_509 = arith.mulf %mul3A_402, %sub3A_508 : vector<16xf32>
        %swap3A_510 = arith.index_cast %scan3A_99 : i32 to index
        %swap3A_511 = arith.constant 96 : index
        %swap3A_512 = tpu.vector_load %arg17[%swap3A_510, %swap3A_511] {strides = array<i32>} : memref<80x128xf32, #tpu.memory_space<vmem>>, vector<1x16xf32>,
        %swap3A_513 = vector.shape_cast %swap3A_512 : vector<1x16xf32> to vector<16xf32>
        %swap3A_514 = vector.shape_cast %mul3A_509 : vector<16xf32> to vector<1x16xf32>
        tpu.vector_store %arg17[%swap3A_510, %swap3A_511], %swap3A_514 {strides = array<i32>} : memref<80x128xf32, #tpu.memory_space<vmem>>, vector<1x16xf32>,
        %broadcast_in_dim3A_515 = arith.constant 7 : i32
        %broadcast_in_dim3A_516 = vector.broadcast %broadcast_in_dim3A_515 : i32 to vector<16xi32>
        %xor3A_517 = arith.xori %shift_right_logical3A_392, %broadcast_in_dim3A_516 : vector<16xi32>
        %min3A_518 = arith.constant 1 : i32
        %min3A_519 = vector.broadcast %min3A_518 : i32 to vector<16xi32>
        %min3A_520 = arith.minsi %xor3A_517, %min3A_519 : vector<16xi32>
        %convert_element_type3A_521 = arith.sitofp %min3A_520 : vector<16xi32> to vector<16xf32>
        %sub3A_522 = arith.constant 1.000000e+00 : f32
        %sub3A_523 = vector.broadcast %sub3A_522 : f32 to vector<16xf32>
        %sub3A_524 = arith.subf %sub3A_523, %convert_element_type3A_521 : vector<16xf32>
        %mul3A_525 = arith.mulf %mul3A_402, %sub3A_524 : vector<16xf32>
        %swap3A_526 = arith.index_cast %scan3A_99 : i32 to index
        %swap3A_527 = arith.constant 112 : index
        %swap3A_528 = tpu.vector_load %arg17[%swap3A_526, %swap3A_527] {strides = array<i32>} : memref<80x128xf32, #tpu.memory_space<vmem>>, vector<1x16xf32>,
        %swap3A_529 = vector.shape_cast %swap3A_528 : vector<1x16xf32> to vector<16xf32>
        %swap3A_530 = vector.shape_cast %mul3A_525 : vector<16xf32> to vector<1x16xf32>
        tpu.vector_store %arg17[%swap3A_526, %swap3A_527], %swap3A_530 {strides = array<i32>} : memref<80x128xf32, #tpu.memory_space<vmem>>, vector<1x16xf32>,
        %scan3A_531 = arith.constant 0 : i32
        scf.yield %scan3A_531 : i32
      }
      %scan3A_78 = arith.constant 80 : i32
      %scan3A_79 = arith.constant 0 : i32
      %scan3A_80 = arith.constant 0 : i32
      %scan3A_81 = arith.constant 5 : i32
      %scan3A_82 = arith.addi %scan3A_80, %scan3A_81 : i32
      %scan3A_83 = arith.constant 1 : i32
      %scan3A_84 = scf.for %scan3A_99 = %scan3A_80 to %scan3A_82 step %scan3A_83 iter_args(%scan3A_100 = %scan3A_79) -> (i32)  : i32 {
        %mul3A_101 = arith.constant 16 : i32
        %mul3A_102 = arith.muli %scan3A_99, %mul3A_101 : i32
        %get3A = arith.index_cast %mul3A_102 : i32 to index
        %get3A_103 = tpu.vector_load %arg12[%get3A] {strides = array<i32>} : memref<80xi32, #tpu.memory_space<vmem>>, vector<16xi32>,
        %get3A_104 = vector.shape_cast %get3A_103 : vector<16xi32> to vector<16xi32>
        %shift_right_logical3A = arith.constant 7 : i32
        %shift_right_logical3A_105 = vector.broadcast %shift_right_logical3A : i32 to vector<16xi32>
        %shift_right_logical3A_106 = arith.shrui %get3A_104, %shift_right_logical3A_105 : vector<16xi32>
        %swap3A = arith.index_cast %mul3A_102 : i32 to index
        %swap3A_107 = tpu.vector_load %arg18[%swap3A] {strides = array<i32>} : memref<80xi32, #tpu.memory_space<vmem>>, vector<16xi32>,
        %swap3A_108 = vector.shape_cast %swap3A_107 : vector<16xi32> to vector<16xi32>
        %swap3A_109 = vector.shape_cast %shift_right_logical3A_106 : vector<16xi32> to vector<16xi32>
        tpu.vector_store %arg18[%swap3A], %swap3A_109 {strides = array<i32>} : memref<80xi32, #tpu.memory_space<vmem>>, vector<16xi32>,
        %scan3A_110 = arith.constant 0 : i32
        scf.yield %scan3A_110 : i32
      }
      %scan3A_85 = arith.constant 5 : i32
      %dma_start3A_86 = arith.constant 0 : i32
      %dma_start3A_87 = arith.constant 0 : i32
      %dma_start3A_88 = tpu.memref_slice %arg9[%dma_start3A_86, %dma_start3A_87] : memref<10240x128xf32, #tpu.memory_space<vmem_shared>> -> memref<10240x128xf32, #tpu.memory_space<vmem_shared>>
      tpu.enqueue_indirect_dma source(%arg14 : memref<80x128xf32, #tpu.memory_space<vmem>>) target(%dma_start3A_88 : memref<10240x128xf32, #tpu.memory_space<vmem_shared>>) offsets(%arg12 : memref<80xi32, #tpu.memory_space<vmem>>) semaphore(%arg19 : memref<!tpu.dma_semaphore, #tpu.memory_space<semaphore_mem>>) {add = true}
      %dma_start3A_89 = arith.constant 0 : i32
      %dma_start3A_90 = arith.constant 0 : i32
      %dma_start3A_91 = tpu.memref_slice %arg10[%dma_start3A_89, %dma_start3A_90] : memref<80x128xf32, #tpu.memory_space<vmem_shared>> -> memref<80x128xf32, #tpu.memory_space<vmem_shared>>
      tpu.enqueue_indirect_dma source(%arg17 : memref<80x128xf32, #tpu.memory_space<vmem>>) target(%dma_start3A_91 : memref<80x128xf32, #tpu.memory_space<vmem_shared>>) offsets(%arg18 : memref<80xi32, #tpu.memory_space<vmem>>) semaphore(%arg19 : memref<!tpu.dma_semaphore, #tpu.memory_space<semaphore_mem>>) {add = true}
      %dma_wait3A_92 = arith.constant 0 : i32
      %dma_wait3A_93 = arith.constant 0 : i32
      %dma_wait3A_94 = tpu.memref_slice %arg9[%dma_wait3A_92, %dma_wait3A_93] : memref<10240x128xf32, #tpu.memory_space<vmem_shared>> -> memref<10240x128xf32, #tpu.memory_space<vmem_shared>>
      tpu.wait_indirect_dma semaphore(%arg19 : memref<!tpu.dma_semaphore, #tpu.memory_space<semaphore_mem>>) src(%arg14 : memref<80x128xf32, #tpu.memory_space<vmem>>) dst(%dma_wait3A_94 : memref<10240x128xf32, #tpu.memory_space<vmem_shared>>)
      %dma_wait3A_95 = arith.constant 0 : i32
      %dma_wait3A_96 = arith.constant 0 : i32
      %dma_wait3A_97 = tpu.memref_slice %arg10[%dma_wait3A_95, %dma_wait3A_96] : memref<80x128xf32, #tpu.memory_space<vmem_shared>> -> memref<80x128xf32, #tpu.memory_space<vmem_shared>>
      tpu.wait_indirect_dma semaphore(%arg19 : memref<!tpu.dma_semaphore, #tpu.memory_space<semaphore_mem>>) src(%arg17 : memref<80x128xf32, #tpu.memory_space<vmem>>) dst(%dma_wait3A_97 : memref<80x128xf32, #tpu.memory_space<vmem_shared>>)
      %scan3A_98 = arith.constant 0 : i32
      scf.yield %scan3A_98 : i32
    }
    %scan3A_23 = arith.constant 125 : i32
    %barrier3A_24 = arith.constant 0 : index
    tpu.barrier barrier_id(%barrier3A_24)
    %scan3A_25 = arith.constant 0 : i32
    %scan3A_26 = arith.constant 0 : i32
    %scan3A_27 = arith.constant 8 : i32
    %scan3A_28 = arith.addi %scan3A_26, %scan3A_27 : i32
    %scan3A_29 = arith.constant 1 : i32
    %scan3A_30 = scf.for %scan3A_37 = %scan3A_26 to %scan3A_28 step %scan3A_29 iter_args(%scan3A_38 = %scan3A_25) -> (i32)  : i32 {
      %mul3A_39 = arith.constant 640 : i32
      %mul3A_40 = arith.muli %arg1, %mul3A_39 : i32
      %mul3A_41 = arith.constant 80 : i32
      %mul3A_42 = arith.muli %scan3A_37, %mul3A_41 : i32
      %add3A_43 = arith.addi %mul3A_40, %mul3A_42 : i32
      "tpu.region"() ({
        %run_scoped3A = tpu.sem_alloc : memref<!tpu.dma_semaphore, #tpu.memory_space<semaphore_mem>>
        %dma_start3A = arith.constant 0 : i32
        %dma_start3A_45 = tpu.memref_slice %arg9[%add3A_43, %dma_start3A] : memref<10240x128xf32, #tpu.memory_space<vmem_shared>> -> memref<80x128xf32, #tpu.memory_space<vmem_shared>>
        %dma_start3A_46 = arith.constant 0 : i32
        %dma_start3A_47 = tpu.memref_slice %arg9[%add3A_43, %dma_start3A_46] : memref<10240x128xf32, #tpu.memory_space<vmem_shared>> -> memref<80x128xf32, #tpu.memory_space<vmem_shared>>
        tpu.enqueue_dma source(%dma_start3A_47 : memref<80x128xf32, #tpu.memory_space<vmem_shared>>) target(%arg14 : memref<80x128xf32, #tpu.memory_space<vmem>>) target_semaphore(%run_scoped3A : memref<!tpu.dma_semaphore, #tpu.memory_space<semaphore_mem>>)
        %dma_wait3A = arith.constant 0 : i32
        %dma_wait3A_48 = tpu.memref_slice %arg9[%add3A_43, %dma_wait3A] : memref<10240x128xf32, #tpu.memory_space<vmem_shared>> -> memref<80x128xf32, #tpu.memory_space<vmem_shared>>
        %dma_wait3A_49 = arith.constant 0 : i32
        %dma_wait3A_50 = tpu.memref_slice %arg9[%add3A_43, %dma_wait3A_49] : memref<10240x128xf32, #tpu.memory_space<vmem_shared>> -> memref<80x128xf32, #tpu.memory_space<vmem_shared>>
        tpu.wait_dma2 semaphore(%run_scoped3A : memref<!tpu.dma_semaphore, #tpu.memory_space<semaphore_mem>>) src(%dma_wait3A_50 : memref<80x128xf32, #tpu.memory_space<vmem_shared>>) dst(%arg14 : memref<80x128xf32, #tpu.memory_space<vmem>>)
        tpu.yield
      }) : () -> ()
      "tpu.region"() ({
        %run_scoped3A = tpu.sem_alloc : memref<!tpu.dma_semaphore, #tpu.memory_space<semaphore_mem>>
        %dma_start3A = arith.constant 0 : i32
        %dma_start3A_45 = tpu.memref_slice %arg7[%arg0, %add3A_43, %dma_start3A] : memref<2x10240x128xf32, #tpu.memory_space<hbm>> -> memref<1x80x128xf32, #tpu.memory_space<hbm>>
        %dma_start3A_46 = tpu.memref_squeeze %dma_start3A_45 : memref<1x80x128xf32, #tpu.memory_space<hbm>> -> memref<80x128xf32, #tpu.memory_space<hbm>>
        %dma_start3A_47 = arith.constant 0 : i32
        %dma_start3A_48 = tpu.memref_slice %arg7[%arg0, %add3A_43, %dma_start3A_47] : memref<2x10240x128xf32, #tpu.memory_space<hbm>> -> memref<1x80x128xf32, #tpu.memory_space<hbm>>
        %dma_start3A_49 = tpu.memref_squeeze %dma_start3A_48 : memref<1x80x128xf32, #tpu.memory_space<hbm>> -> memref<80x128xf32, #tpu.memory_space<hbm>>
        tpu.enqueue_dma source(%arg14 : memref<80x128xf32, #tpu.memory_space<vmem>>) target(%dma_start3A_49 : memref<80x128xf32, #tpu.memory_space<hbm>>) target_semaphore(%run_scoped3A : memref<!tpu.dma_semaphore, #tpu.memory_space<semaphore_mem>>)
        %dma_wait3A = arith.constant 0 : i32
        %dma_wait3A_50 = tpu.memref_slice %arg7[%arg0, %add3A_43, %dma_wait3A] : memref<2x10240x128xf32, #tpu.memory_space<hbm>> -> memref<1x80x128xf32, #tpu.memory_space<hbm>>
        %dma_wait3A_51 = tpu.memref_squeeze %dma_wait3A_50 : memref<1x80x128xf32, #tpu.memory_space<hbm>> -> memref<80x128xf32, #tpu.memory_space<hbm>>
        %dma_wait3A_52 = arith.constant 0 : i32
        %dma_wait3A_53 = tpu.memref_slice %arg7[%arg0, %add3A_43, %dma_wait3A_52] : memref<2x10240x128xf32, #tpu.memory_space<hbm>> -> memref<1x80x128xf32, #tpu.memory_space<hbm>>
        %dma_wait3A_54 = tpu.memref_squeeze %dma_wait3A_53 : memref<1x80x128xf32, #tpu.memory_space<hbm>> -> memref<80x128xf32, #tpu.memory_space<hbm>>
        tpu.wait_dma2 semaphore(%run_scoped3A : memref<!tpu.dma_semaphore, #tpu.memory_space<semaphore_mem>>) src(%arg14 : memref<80x128xf32, #tpu.memory_space<vmem>>) dst(%dma_wait3A_54 : memref<80x128xf32, #tpu.memory_space<hbm>>)
        tpu.yield
      }) : () -> ()
      %scan3A_44 = arith.constant 0 : i32
      scf.yield %scan3A_44 : i32
    }
    %scan3A_31 = arith.constant 8 : i32
    %eq3A_32 = arith.constant 0 : i32
    %eq3A_33 = arith.cmpi eq, %arg1, %eq3A_32 : i32
    %convert_element_type3A_34 = arith.extui %eq3A_33 : i1 to i32
    %cond3A_35 = arith.constant 0 : i32
    %cond3A_36 = arith.cmpi ne, %convert_element_type3A_34, %cond3A_35 : i32
    scf.if %cond3A_36 {
      "tpu.region"() ({
        %run_scoped3A = tpu.sem_alloc : memref<!tpu.dma_semaphore, #tpu.memory_space<semaphore_mem>>
        %dma_start3A = arith.constant 0 : i32
        %dma_start3A_37 = arith.constant 0 : i32
        %dma_start3A_38 = tpu.memref_slice %arg8[%arg0, %dma_start3A, %dma_start3A_37] : memref<2x80x128xf32, #tpu.memory_space<hbm>> -> memref<1x80x128xf32, #tpu.memory_space<hbm>>
        %dma_start3A_39 = tpu.memref_squeeze %dma_start3A_38 : memref<1x80x128xf32, #tpu.memory_space<hbm>> -> memref<80x128xf32, #tpu.memory_space<hbm>>
        tpu.enqueue_dma source(%arg10 : memref<80x128xf32, #tpu.memory_space<vmem_shared>>) target(%dma_start3A_39 : memref<80x128xf32, #tpu.memory_space<hbm>>) target_semaphore(%run_scoped3A : memref<!tpu.dma_semaphore, #tpu.memory_space<semaphore_mem>>)
        %dma_wait3A = arith.constant 0 : i32
        %dma_wait3A_40 = arith.constant 0 : i32
        %dma_wait3A_41 = tpu.memref_slice %arg8[%arg0, %dma_wait3A, %dma_wait3A_40] : memref<2x80x128xf32, #tpu.memory_space<hbm>> -> memref<1x80x128xf32, #tpu.memory_space<hbm>>
        %dma_wait3A_42 = tpu.memref_squeeze %dma_wait3A_41 : memref<1x80x128xf32, #tpu.memory_space<hbm>> -> memref<80x128xf32, #tpu.memory_space<hbm>>
        tpu.wait_dma2 semaphore(%run_scoped3A : memref<!tpu.dma_semaphore, #tpu.memory_space<semaphore_mem>>) src(%arg10 : memref<80x128xf32, #tpu.memory_space<vmem_shared>>) dst(%dma_wait3A_42 : memref<80x128xf32, #tpu.memory_space<hbm>>)
        tpu.yield
      }) : () -> ()
    } else {
    }
    return
  }
}

#map = affine_map<(d0, d1) -> (0)>
#map1 = affine_map<(d0, d1) -> (0, 0)>
module attributes {stable_mosaic.version = 14 : i64} {
  func.func @_query_kernel(%arg0: i32, %arg1: i32, %arg2: memref<1024xi32, #tpu.memory_space<hbm>>, %arg3: memref<1024xi32, #tpu.memory_space<hbm>>, %arg4: memref<10240x128xf32, #tpu.memory_space<hbm>>, %arg5: memref<402x128xf32, #tpu.memory_space<hbm>>, %arg6: memref<1024x128xf32, #tpu.memory_space<hbm>>, %arg7: memref<32xi32, #tpu.memory_space<vmem>>, %arg8: memref<32xi32, #tpu.memory_space<vmem>>, %arg9: memref<32x128xf32, #tpu.memory_space<vmem>>, %arg10: memref<32x128xf32, #tpu.memory_space<vmem>>, %arg11: memref<!tpu.dma_semaphore, #tpu.memory_space<semaphore_mem>>) attributes {dimension_semantics = [#tpu.dimension_semantics<core_parallel>, #tpu.dimension_semantics<subcore_parallel>], iteration_bounds = array<i64: 2, 16>, scalar_prefetch = 0 : i64, scratch_operands = 5 : i64, tpu.core_type = #tpu.core_type<sc_vector_subcore>, window_params = [{transform_indices = #map}, {transform_indices = #map}, {transform_indices = #map1}, {transform_indices = #map1}, {transform_indices = #map1}]} {
    %mul3A = arith.constant 2 : i32
    %mul3A_0 = arith.muli %arg1, %mul3A : i32
    %add3A = arith.addi %mul3A_0, %arg0 : i32
    %mul3A_1 = arith.constant 32 : i32
    %mul3A_2 = arith.muli %add3A, %mul3A_1 : i32
    "tpu.region"() ({
      %run_scoped3A = tpu.sem_alloc : memref<!tpu.dma_semaphore, #tpu.memory_space<semaphore_mem>>
      %dma_start3A_19 = tpu.memref_slice %arg2[%mul3A_2] : memref<1024xi32, #tpu.memory_space<hbm>> -> memref<32xi32, #tpu.memory_space<hbm>>
      %dma_start3A_20 = tpu.memref_slice %arg2[%mul3A_2] : memref<1024xi32, #tpu.memory_space<hbm>> -> memref<32xi32, #tpu.memory_space<hbm>>
      tpu.enqueue_dma source(%dma_start3A_20 : memref<32xi32, #tpu.memory_space<hbm>>) target(%arg7 : memref<32xi32, #tpu.memory_space<vmem>>) target_semaphore(%run_scoped3A : memref<!tpu.dma_semaphore, #tpu.memory_space<semaphore_mem>>)
      %dma_wait3A_21 = tpu.memref_slice %arg2[%mul3A_2] : memref<1024xi32, #tpu.memory_space<hbm>> -> memref<32xi32, #tpu.memory_space<hbm>>
      %dma_wait3A_22 = tpu.memref_slice %arg2[%mul3A_2] : memref<1024xi32, #tpu.memory_space<hbm>> -> memref<32xi32, #tpu.memory_space<hbm>>
      tpu.wait_dma2 semaphore(%run_scoped3A : memref<!tpu.dma_semaphore, #tpu.memory_space<semaphore_mem>>) src(%dma_wait3A_22 : memref<32xi32, #tpu.memory_space<hbm>>) dst(%arg7 : memref<32xi32, #tpu.memory_space<vmem>>)
      tpu.yield
    }) : () -> ()
    "tpu.region"() ({
      %run_scoped3A = tpu.sem_alloc : memref<!tpu.dma_semaphore, #tpu.memory_space<semaphore_mem>>
      %dma_start3A_19 = tpu.memref_slice %arg3[%mul3A_2] : memref<1024xi32, #tpu.memory_space<hbm>> -> memref<32xi32, #tpu.memory_space<hbm>>
      %dma_start3A_20 = tpu.memref_slice %arg3[%mul3A_2] : memref<1024xi32, #tpu.memory_space<hbm>> -> memref<32xi32, #tpu.memory_space<hbm>>
      tpu.enqueue_dma source(%dma_start3A_20 : memref<32xi32, #tpu.memory_space<hbm>>) target(%arg8 : memref<32xi32, #tpu.memory_space<vmem>>) target_semaphore(%run_scoped3A : memref<!tpu.dma_semaphore, #tpu.memory_space<semaphore_mem>>)
      %dma_wait3A_21 = tpu.memref_slice %arg3[%mul3A_2] : memref<1024xi32, #tpu.memory_space<hbm>> -> memref<32xi32, #tpu.memory_space<hbm>>
      %dma_wait3A_22 = tpu.memref_slice %arg3[%mul3A_2] : memref<1024xi32, #tpu.memory_space<hbm>> -> memref<32xi32, #tpu.memory_space<hbm>>
      tpu.wait_dma2 semaphore(%run_scoped3A : memref<!tpu.dma_semaphore, #tpu.memory_space<semaphore_mem>>) src(%dma_wait3A_22 : memref<32xi32, #tpu.memory_space<hbm>>) dst(%arg8 : memref<32xi32, #tpu.memory_space<vmem>>)
      tpu.yield
    }) : () -> ()
    %dma_start3A = arith.constant 0 : i32
    %dma_start3A_3 = arith.constant 0 : i32
    %dma_start3A_4 = tpu.memref_slice %arg4[%dma_start3A, %dma_start3A_3] : memref<10240x128xf32, #tpu.memory_space<hbm>> -> memref<10240x128xf32, #tpu.memory_space<hbm>>
    tpu.enqueue_indirect_dma source(%dma_start3A_4 : memref<10240x128xf32, #tpu.memory_space<hbm>>) target(%arg9 : memref<32x128xf32, #tpu.memory_space<vmem>>) offsets(%arg7 : memref<32xi32, #tpu.memory_space<vmem>>) semaphore(%arg11 : memref<!tpu.dma_semaphore, #tpu.memory_space<semaphore_mem>>)
    %dma_wait3A = arith.constant 0 : i32
    %dma_wait3A_5 = arith.constant 0 : i32
    %dma_wait3A_6 = tpu.memref_slice %arg4[%dma_wait3A, %dma_wait3A_5] : memref<10240x128xf32, #tpu.memory_space<hbm>> -> memref<10240x128xf32, #tpu.memory_space<hbm>>
    tpu.wait_indirect_dma semaphore(%arg11 : memref<!tpu.dma_semaphore, #tpu.memory_space<semaphore_mem>>) src(%dma_wait3A_6 : memref<10240x128xf32, #tpu.memory_space<hbm>>) dst(%arg9 : memref<32x128xf32, #tpu.memory_space<vmem>>)
    %dma_start3A_7 = arith.constant 0 : i32
    %dma_start3A_8 = arith.constant 0 : i32
    %dma_start3A_9 = tpu.memref_slice %arg5[%dma_start3A_7, %dma_start3A_8] : memref<402x128xf32, #tpu.memory_space<hbm>> -> memref<402x128xf32, #tpu.memory_space<hbm>>
    tpu.enqueue_indirect_dma source(%dma_start3A_9 : memref<402x128xf32, #tpu.memory_space<hbm>>) target(%arg10 : memref<32x128xf32, #tpu.memory_space<vmem>>) offsets(%arg8 : memref<32xi32, #tpu.memory_space<vmem>>) semaphore(%arg11 : memref<!tpu.dma_semaphore, #tpu.memory_space<semaphore_mem>>)
    %dma_wait3A_10 = arith.constant 0 : i32
    %dma_wait3A_11 = arith.constant 0 : i32
    %dma_wait3A_12 = tpu.memref_slice %arg5[%dma_wait3A_10, %dma_wait3A_11] : memref<402x128xf32, #tpu.memory_space<hbm>> -> memref<402x128xf32, #tpu.memory_space<hbm>>
    tpu.wait_indirect_dma semaphore(%arg11 : memref<!tpu.dma_semaphore, #tpu.memory_space<semaphore_mem>>) src(%dma_wait3A_12 : memref<402x128xf32, #tpu.memory_space<hbm>>) dst(%arg10 : memref<32x128xf32, #tpu.memory_space<vmem>>)
    %scan3A = arith.constant 0 : i32
    %scan3A_13 = arith.constant 0 : i32
    %scan3A_14 = arith.constant 32 : i32
    %scan3A_15 = arith.addi %scan3A_13, %scan3A_14 : i32
    %scan3A_16 = arith.constant 1 : i32
    %scan3A_17 = scf.for %scan3A_19 = %scan3A_13 to %scan3A_15 step %scan3A_16 iter_args(%scan3A_20 = %scan3A) -> (i32)  : i32 {
      %get3A = arith.index_cast %scan3A_19 : i32 to index
      %get3A_21 = arith.constant 0 : index
      %get3A_22 = tpu.vector_load %arg9[%get3A, %get3A_21] {strides = array<i32>} : memref<32x128xf32, #tpu.memory_space<vmem>>, vector<1x16xf32>,
      %get3A_23 = vector.shape_cast %get3A_22 : vector<1x16xf32> to vector<16xf32>
      %get3A_24 = arith.index_cast %scan3A_19 : i32 to index
      %get3A_25 = arith.constant 0 : index
      %get3A_26 = tpu.vector_load %arg10[%get3A_24, %get3A_25] {strides = array<i32>} : memref<32x128xf32, #tpu.memory_space<vmem>>, vector<1x16xf32>,
      %get3A_27 = vector.shape_cast %get3A_26 : vector<1x16xf32> to vector<16xf32>
      %mul3A_28 = arith.mulf %get3A_23, %get3A_27 : vector<16xf32>
      %swap3A = arith.index_cast %scan3A_19 : i32 to index
      %swap3A_29 = arith.constant 0 : index
      %swap3A_30 = tpu.vector_load %arg9[%swap3A, %swap3A_29] {strides = array<i32>} : memref<32x128xf32, #tpu.memory_space<vmem>>, vector<1x16xf32>,
      %swap3A_31 = vector.shape_cast %swap3A_30 : vector<1x16xf32> to vector<16xf32>
      %swap3A_32 = vector.shape_cast %mul3A_28 : vector<16xf32> to vector<1x16xf32>
      tpu.vector_store %arg9[%swap3A, %swap3A_29], %swap3A_32 {strides = array<i32>} : memref<32x128xf32, #tpu.memory_space<vmem>>, vector<1x16xf32>,
      %get3A_33 = arith.index_cast %scan3A_19 : i32 to index
      %get3A_34 = arith.constant 16 : index
      %get3A_35 = tpu.vector_load %arg9[%get3A_33, %get3A_34] {strides = array<i32>} : memref<32x128xf32, #tpu.memory_space<vmem>>, vector<1x16xf32>,
      %get3A_36 = vector.shape_cast %get3A_35 : vector<1x16xf32> to vector<16xf32>
      %get3A_37 = arith.index_cast %scan3A_19 : i32 to index
      %get3A_38 = arith.constant 16 : index
      %get3A_39 = tpu.vector_load %arg10[%get3A_37, %get3A_38] {strides = array<i32>} : memref<32x128xf32, #tpu.memory_space<vmem>>, vector<1x16xf32>,
      %get3A_40 = vector.shape_cast %get3A_39 : vector<1x16xf32> to vector<16xf32>
      %mul3A_41 = arith.mulf %get3A_36, %get3A_40 : vector<16xf32>
      %swap3A_42 = arith.index_cast %scan3A_19 : i32 to index
      %swap3A_43 = arith.constant 16 : index
      %swap3A_44 = tpu.vector_load %arg9[%swap3A_42, %swap3A_43] {strides = array<i32>} : memref<32x128xf32, #tpu.memory_space<vmem>>, vector<1x16xf32>,
      %swap3A_45 = vector.shape_cast %swap3A_44 : vector<1x16xf32> to vector<16xf32>
      %swap3A_46 = vector.shape_cast %mul3A_41 : vector<16xf32> to vector<1x16xf32>
      tpu.vector_store %arg9[%swap3A_42, %swap3A_43], %swap3A_46 {strides = array<i32>} : memref<32x128xf32, #tpu.memory_space<vmem>>, vector<1x16xf32>,
      %get3A_47 = arith.index_cast %scan3A_19 : i32 to index
      %get3A_48 = arith.constant 32 : index
      %get3A_49 = tpu.vector_load %arg9[%get3A_47, %get3A_48] {strides = array<i32>} : memref<32x128xf32, #tpu.memory_space<vmem>>, vector<1x16xf32>,
      %get3A_50 = vector.shape_cast %get3A_49 : vector<1x16xf32> to vector<16xf32>
      %get3A_51 = arith.index_cast %scan3A_19 : i32 to index
      %get3A_52 = arith.constant 32 : index
      %get3A_53 = tpu.vector_load %arg10[%get3A_51, %get3A_52] {strides = array<i32>} : memref<32x128xf32, #tpu.memory_space<vmem>>, vector<1x16xf32>,
      %get3A_54 = vector.shape_cast %get3A_53 : vector<1x16xf32> to vector<16xf32>
      %mul3A_55 = arith.mulf %get3A_50, %get3A_54 : vector<16xf32>
      %swap3A_56 = arith.index_cast %scan3A_19 : i32 to index
      %swap3A_57 = arith.constant 32 : index
      %swap3A_58 = tpu.vector_load %arg9[%swap3A_56, %swap3A_57] {strides = array<i32>} : memref<32x128xf32, #tpu.memory_space<vmem>>, vector<1x16xf32>,
      %swap3A_59 = vector.shape_cast %swap3A_58 : vector<1x16xf32> to vector<16xf32>
      %swap3A_60 = vector.shape_cast %mul3A_55 : vector<16xf32> to vector<1x16xf32>
      tpu.vector_store %arg9[%swap3A_56, %swap3A_57], %swap3A_60 {strides = array<i32>} : memref<32x128xf32, #tpu.memory_space<vmem>>, vector<1x16xf32>,
      %get3A_61 = arith.index_cast %scan3A_19 : i32 to index
      %get3A_62 = arith.constant 48 : index
      %get3A_63 = tpu.vector_load %arg9[%get3A_61, %get3A_62] {strides = array<i32>} : memref<32x128xf32, #tpu.memory_space<vmem>>, vector<1x16xf32>,
      %get3A_64 = vector.shape_cast %get3A_63 : vector<1x16xf32> to vector<16xf32>
      %get3A_65 = arith.index_cast %scan3A_19 : i32 to index
      %get3A_66 = arith.constant 48 : index
      %get3A_67 = tpu.vector_load %arg10[%get3A_65, %get3A_66] {strides = array<i32>} : memref<32x128xf32, #tpu.memory_space<vmem>>, vector<1x16xf32>,
      %get3A_68 = vector.shape_cast %get3A_67 : vector<1x16xf32> to vector<16xf32>
      %mul3A_69 = arith.mulf %get3A_64, %get3A_68 : vector<16xf32>
      %swap3A_70 = arith.index_cast %scan3A_19 : i32 to index
      %swap3A_71 = arith.constant 48 : index
      %swap3A_72 = tpu.vector_load %arg9[%swap3A_70, %swap3A_71] {strides = array<i32>} : memref<32x128xf32, #tpu.memory_space<vmem>>, vector<1x16xf32>,
      %swap3A_73 = vector.shape_cast %swap3A_72 : vector<1x16xf32> to vector<16xf32>
      %swap3A_74 = vector.shape_cast %mul3A_69 : vector<16xf32> to vector<1x16xf32>
      tpu.vector_store %arg9[%swap3A_70, %swap3A_71], %swap3A_74 {strides = array<i32>} : memref<32x128xf32, #tpu.memory_space<vmem>>, vector<1x16xf32>,
      %get3A_75 = arith.index_cast %scan3A_19 : i32 to index
      %get3A_76 = arith.constant 64 : index
      %get3A_77 = tpu.vector_load %arg9[%get3A_75, %get3A_76] {strides = array<i32>} : memref<32x128xf32, #tpu.memory_space<vmem>>, vector<1x16xf32>,
      %get3A_78 = vector.shape_cast %get3A_77 : vector<1x16xf32> to vector<16xf32>
      %get3A_79 = arith.index_cast %scan3A_19 : i32 to index
      %get3A_80 = arith.constant 64 : index
      %get3A_81 = tpu.vector_load %arg10[%get3A_79, %get3A_80] {strides = array<i32>} : memref<32x128xf32, #tpu.memory_space<vmem>>, vector<1x16xf32>,
      %get3A_82 = vector.shape_cast %get3A_81 : vector<1x16xf32> to vector<16xf32>
      %mul3A_83 = arith.mulf %get3A_78, %get3A_82 : vector<16xf32>
      %swap3A_84 = arith.index_cast %scan3A_19 : i32 to index
      %swap3A_85 = arith.constant 64 : index
      %swap3A_86 = tpu.vector_load %arg9[%swap3A_84, %swap3A_85] {strides = array<i32>} : memref<32x128xf32, #tpu.memory_space<vmem>>, vector<1x16xf32>,
      %swap3A_87 = vector.shape_cast %swap3A_86 : vector<1x16xf32> to vector<16xf32>
      %swap3A_88 = vector.shape_cast %mul3A_83 : vector<16xf32> to vector<1x16xf32>
      tpu.vector_store %arg9[%swap3A_84, %swap3A_85], %swap3A_88 {strides = array<i32>} : memref<32x128xf32, #tpu.memory_space<vmem>>, vector<1x16xf32>,
      %get3A_89 = arith.index_cast %scan3A_19 : i32 to index
      %get3A_90 = arith.constant 80 : index
      %get3A_91 = tpu.vector_load %arg9[%get3A_89, %get3A_90] {strides = array<i32>} : memref<32x128xf32, #tpu.memory_space<vmem>>, vector<1x16xf32>,
      %get3A_92 = vector.shape_cast %get3A_91 : vector<1x16xf32> to vector<16xf32>
      %get3A_93 = arith.index_cast %scan3A_19 : i32 to index
      %get3A_94 = arith.constant 80 : index
      %get3A_95 = tpu.vector_load %arg10[%get3A_93, %get3A_94] {strides = array<i32>} : memref<32x128xf32, #tpu.memory_space<vmem>>, vector<1x16xf32>,
      %get3A_96 = vector.shape_cast %get3A_95 : vector<1x16xf32> to vector<16xf32>
      %mul3A_97 = arith.mulf %get3A_92, %get3A_96 : vector<16xf32>
      %swap3A_98 = arith.index_cast %scan3A_19 : i32 to index
      %swap3A_99 = arith.constant 80 : index
      %swap3A_100 = tpu.vector_load %arg9[%swap3A_98, %swap3A_99] {strides = array<i32>} : memref<32x128xf32, #tpu.memory_space<vmem>>, vector<1x16xf32>,
      %swap3A_101 = vector.shape_cast %swap3A_100 : vector<1x16xf32> to vector<16xf32>
      %swap3A_102 = vector.shape_cast %mul3A_97 : vector<16xf32> to vector<1x16xf32>
      tpu.vector_store %arg9[%swap3A_98, %swap3A_99], %swap3A_102 {strides = array<i32>} : memref<32x128xf32, #tpu.memory_space<vmem>>, vector<1x16xf32>,
      %get3A_103 = arith.index_cast %scan3A_19 : i32 to index
      %get3A_104 = arith.constant 96 : index
      %get3A_105 = tpu.vector_load %arg9[%get3A_103, %get3A_104] {strides = array<i32>} : memref<32x128xf32, #tpu.memory_space<vmem>>, vector<1x16xf32>,
      %get3A_106 = vector.shape_cast %get3A_105 : vector<1x16xf32> to vector<16xf32>
      %get3A_107 = arith.index_cast %scan3A_19 : i32 to index
      %get3A_108 = arith.constant 96 : index
      %get3A_109 = tpu.vector_load %arg10[%get3A_107, %get3A_108] {strides = array<i32>} : memref<32x128xf32, #tpu.memory_space<vmem>>, vector<1x16xf32>,
      %get3A_110 = vector.shape_cast %get3A_109 : vector<1x16xf32> to vector<16xf32>
      %mul3A_111 = arith.mulf %get3A_106, %get3A_110 : vector<16xf32>
      %swap3A_112 = arith.index_cast %scan3A_19 : i32 to index
      %swap3A_113 = arith.constant 96 : index
      %swap3A_114 = tpu.vector_load %arg9[%swap3A_112, %swap3A_113] {strides = array<i32>} : memref<32x128xf32, #tpu.memory_space<vmem>>, vector<1x16xf32>,
      %swap3A_115 = vector.shape_cast %swap3A_114 : vector<1x16xf32> to vector<16xf32>
      %swap3A_116 = vector.shape_cast %mul3A_111 : vector<16xf32> to vector<1x16xf32>
      tpu.vector_store %arg9[%swap3A_112, %swap3A_113], %swap3A_116 {strides = array<i32>} : memref<32x128xf32, #tpu.memory_space<vmem>>, vector<1x16xf32>,
      %get3A_117 = arith.index_cast %scan3A_19 : i32 to index
      %get3A_118 = arith.constant 112 : index
      %get3A_119 = tpu.vector_load %arg9[%get3A_117, %get3A_118] {strides = array<i32>} : memref<32x128xf32, #tpu.memory_space<vmem>>, vector<1x16xf32>,
      %get3A_120 = vector.shape_cast %get3A_119 : vector<1x16xf32> to vector<16xf32>
      %get3A_121 = arith.index_cast %scan3A_19 : i32 to index
      %get3A_122 = arith.constant 112 : index
      %get3A_123 = tpu.vector_load %arg10[%get3A_121, %get3A_122] {strides = array<i32>} : memref<32x128xf32, #tpu.memory_space<vmem>>, vector<1x16xf32>,
      %get3A_124 = vector.shape_cast %get3A_123 : vector<1x16xf32> to vector<16xf32>
      %mul3A_125 = arith.mulf %get3A_120, %get3A_124 : vector<16xf32>
      %swap3A_126 = arith.index_cast %scan3A_19 : i32 to index
      %swap3A_127 = arith.constant 112 : index
      %swap3A_128 = tpu.vector_load %arg9[%swap3A_126, %swap3A_127] {strides = array<i32>} : memref<32x128xf32, #tpu.memory_space<vmem>>, vector<1x16xf32>,
      %swap3A_129 = vector.shape_cast %swap3A_128 : vector<1x16xf32> to vector<16xf32>
      %swap3A_130 = vector.shape_cast %mul3A_125 : vector<16xf32> to vector<1x16xf32>
      tpu.vector_store %arg9[%swap3A_126, %swap3A_127], %swap3A_130 {strides = array<i32>} : memref<32x128xf32, #tpu.memory_space<vmem>>, vector<1x16xf32>,
      %scan3A_131 = arith.constant 0 : i32
      scf.yield %scan3A_131 : i32
    }
    %scan3A_18 = arith.constant 32 : i32
    "tpu.region"() ({
      %run_scoped3A = tpu.sem_alloc : memref<!tpu.dma_semaphore, #tpu.memory_space<semaphore_mem>>
      %dma_start3A_19 = arith.constant 0 : i32
      %dma_start3A_20 = tpu.memref_slice %arg6[%mul3A_2, %dma_start3A_19] : memref<1024x128xf32, #tpu.memory_space<hbm>> -> memref<32x128xf32, #tpu.memory_space<hbm>>
      %dma_start3A_21 = arith.constant 0 : i32
      %dma_start3A_22 = tpu.memref_slice %arg6[%mul3A_2, %dma_start3A_21] : memref<1024x128xf32, #tpu.memory_space<hbm>> -> memref<32x128xf32, #tpu.memory_space<hbm>>
      tpu.enqueue_dma source(%arg9 : memref<32x128xf32, #tpu.memory_space<vmem>>) target(%dma_start3A_22 : memref<32x128xf32, #tpu.memory_space<hbm>>) target_semaphore(%run_scoped3A : memref<!tpu.dma_semaphore, #tpu.memory_space<semaphore_mem>>)
      %dma_wait3A_23 = arith.constant 0 : i32
      %dma_wait3A_24 = tpu.memref_slice %arg6[%mul3A_2, %dma_wait3A_23] : memref<1024x128xf32, #tpu.memory_space<hbm>> -> memref<32x128xf32, #tpu.memory_space<hbm>>
      %dma_wait3A_25 = arith.constant 0 : i32
      %dma_wait3A_26 = tpu.memref_slice %arg6[%mul3A_2, %dma_wait3A_25] : memref<1024x128xf32, #tpu.memory_space<hbm>> -> memref<32x128xf32, #tpu.memory_space<hbm>>
      tpu.wait_dma2 semaphore(%run_scoped3A : memref<!tpu.dma_semaphore, #tpu.memory_space<semaphore_mem>>) src(%arg9 : memref<32x128xf32, #tpu.memory_space<vmem>>) dst(%dma_wait3A_26 : memref<32x128xf32, #tpu.memory_space<hbm>>)
      tpu.yield
    }) : () -> ()
    return
  }
}

module attributes {stable_mosaic.version = 14 : i64} {
  func.func @_gru_body(%arg0: memref<3x134x128xf32, #tpu.memory_space<vmem>>, %arg1: memref<384x128xf32, #tpu.memory_space<vmem>>, %arg2: memref<384x128xf32, #tpu.memory_space<vmem>>, %arg3: memref<1x384xf32, #tpu.memory_space<vmem>>, %arg4: memref<1x384xf32, #tpu.memory_space<vmem>>, %arg5: memref<134x128xf32, #tpu.memory_space<vmem>>, %arg6: memref<3x134x128xf32, #tpu.memory_space<vmem>>) attributes {dimension_semantics = [], scalar_prefetch = 0 : i64, scratch_operands = 0 : i64, tpu.core_type = #tpu.core_type<tc>} {
    %get3A = arith.constant 0 : index
    %get3A_0 = arith.constant 0 : index
    %get3A_1 = vector.load %arg5[%get3A, %get3A_0] : memref<134x128xf32, #tpu.memory_space<vmem>>, vector<134x128xf32>
    %get3A_2 = arith.constant 0 : index
    %get3A_3 = arith.constant 0 : index
    %get3A_4 = vector.load %arg1[%get3A_2, %get3A_3] : memref<384x128xf32, #tpu.memory_space<vmem>>, vector<384x128xf32>
    %get3A_5 = arith.constant 0 : index
    %get3A_6 = arith.constant 0 : index
    %get3A_7 = vector.load %arg2[%get3A_5, %get3A_6] : memref<384x128xf32, #tpu.memory_space<vmem>>, vector<384x128xf32>
    %get3A_8 = arith.constant 0 : index
    %get3A_9 = arith.constant 0 : index
    %get3A_10 = vector.load %arg3[%get3A_8, %get3A_9] : memref<1x384xf32, #tpu.memory_space<vmem>>, vector<1x384xf32>
    %get3A_11 = arith.constant 0 : index
    %get3A_12 = arith.constant 0 : index
    %get3A_13 = vector.load %arg4[%get3A_11, %get3A_12] : memref<1x384xf32, #tpu.memory_space<vmem>>, vector<1x384xf32>
    %get3A_14 = arith.constant 0 : index
    %get3A_15 = arith.constant 0 : index
    %get3A_16 = arith.constant 0 : index
    %get3A_17 = vector.load %arg0[%get3A_14, %get3A_15, %get3A_16] : memref<3x134x128xf32, #tpu.memory_space<vmem>>, vector<1x134x128xf32>
    %get3A_18 = vector.shape_cast %get3A_17 : vector<1x134x128xf32> to vector<134x128xf32>
    %dot_general3A = arith.constant dense<0.000000e+00> : vector<134x384xf32>
    %dot_general3A_19 = tpu.matmul %get3A_18, %get3A_4, %dot_general3A {dimension_numbers = #tpu.dot_dimension_numbers<[1], [1], [0], [0], [0, 0, 1, 0], [], []>, transpose_lhs_hint = false} : vector<134x128xf32>, vector<384x128xf32>, vector<134x384xf32> -> vector<134x384xf32>
    %add3A = vector.broadcast %get3A_10 : vector<1x384xf32> to vector<134x384xf32>
    %add3A_20 = arith.addf %dot_general3A_19, %add3A : vector<134x384xf32>
    %dot_general3A_21 = arith.constant dense<0.000000e+00> : vector<134x384xf32>
    %dot_general3A_22 = tpu.matmul %get3A_1, %get3A_7, %dot_general3A_21 {dimension_numbers = #tpu.dot_dimension_numbers<[1], [1], [0], [0], [0, 0, 1, 0], [], []>, transpose_lhs_hint = false} : vector<134x128xf32>, vector<384x128xf32>, vector<134x384xf32> -> vector<134x384xf32>
    %add3A_23 = vector.broadcast %get3A_13 : vector<1x384xf32> to vector<134x384xf32>
    %add3A_24 = arith.addf %dot_general3A_22, %add3A_23 : vector<134x384xf32>
    %slice3A = vector.extract_strided_slice %add3A_20 {offsets = [0, 0], sizes = [134, 128], strides = [1, 1]} : vector<134x384xf32> to vector<134x128xf32>
    %slice3A_25 = vector.extract_strided_slice %add3A_24 {offsets = [0, 0], sizes = [134, 128], strides = [1, 1]} : vector<134x384xf32> to vector<134x128xf32>
    %add3A_26 = arith.addf %slice3A, %slice3A_25 : vector<134x128xf32>
    %neg3A = arith.constant 0.000000e+00 : f32
    %neg3A_27 = vector.broadcast %neg3A : f32 to vector<134x128xf32>
    %neg3A_28 = arith.subf %neg3A_27, %add3A_26 : vector<134x128xf32>
    %exp3A = math.exp %neg3A_28 : vector<134x128xf32>
    %add3A_29 = arith.constant 1.000000e+00 : f32
    %add3A_30 = vector.broadcast %add3A_29 : f32 to vector<134x128xf32>
    %add3A_31 = arith.addf %add3A_30, %exp3A : vector<134x128xf32>
    %div3A = arith.constant 1.000000e+00 : f32
    %div3A_32 = vector.broadcast %div3A : f32 to vector<134x128xf32>
    %div3A_33 = arith.divf %div3A_32, %add3A_31 : vector<134x128xf32>
    %slice3A_34 = vector.extract_strided_slice %add3A_20 {offsets = [0, 128], sizes = [134, 128], strides = [1, 1]} : vector<134x384xf32> to vector<134x128xf32>
    %slice3A_35 = vector.extract_strided_slice %add3A_24 {offsets = [0, 128], sizes = [134, 128], strides = [1, 1]} : vector<134x384xf32> to vector<134x128xf32>
    %add3A_36 = arith.addf %slice3A_34, %slice3A_35 : vector<134x128xf32>
    %neg3A_37 = arith.constant 0.000000e+00 : f32
    %neg3A_38 = vector.broadcast %neg3A_37 : f32 to vector<134x128xf32>
    %neg3A_39 = arith.subf %neg3A_38, %add3A_36 : vector<134x128xf32>
    %exp3A_40 = math.exp %neg3A_39 : vector<134x128xf32>
    %add3A_41 = arith.constant 1.000000e+00 : f32
    %add3A_42 = vector.broadcast %add3A_41 : f32 to vector<134x128xf32>
    %add3A_43 = arith.addf %add3A_42, %exp3A_40 : vector<134x128xf32>
    %div3A_44 = arith.constant 1.000000e+00 : f32
    %div3A_45 = vector.broadcast %div3A_44 : f32 to vector<134x128xf32>
    %div3A_46 = arith.divf %div3A_45, %add3A_43 : vector<134x128xf32>
    %slice3A_47 = vector.extract_strided_slice %add3A_20 {offsets = [0, 256], sizes = [134, 128], strides = [1, 1]} : vector<134x384xf32> to vector<134x128xf32>
    %slice3A_48 = vector.extract_strided_slice %add3A_24 {offsets = [0, 256], sizes = [134, 128], strides = [1, 1]} : vector<134x384xf32> to vector<134x128xf32>
    %mul3A = arith.mulf %div3A_33, %slice3A_48 : vector<134x128xf32>
    %add3A_49 = arith.addf %slice3A_47, %mul3A : vector<134x128xf32>
    %tanh3A = math.tanh %add3A_49 : vector<134x128xf32>
    %sub3A = arith.constant 1.000000e+00 : f32
    %sub3A_50 = vector.broadcast %sub3A : f32 to vector<134x128xf32>
    %sub3A_51 = arith.subf %sub3A_50, %div3A_46 : vector<134x128xf32>
    %mul3A_52 = arith.mulf %sub3A_51, %tanh3A : vector<134x128xf32>
    %mul3A_53 = arith.mulf %div3A_46, %get3A_1 : vector<134x128xf32>
    %add3A_54 = arith.addf %mul3A_52, %mul3A_53 : vector<134x128xf32>
    %tanh3A_55 = math.tanh %add3A_54 : vector<134x128xf32>
    %swap3A = arith.constant 0 : index
    %swap3A_56 = arith.constant 0 : index
    %swap3A_57 = arith.constant 0 : index
    %swap3A_58 = vector.load %arg6[%swap3A, %swap3A_56, %swap3A_57] : memref<3x134x128xf32, #tpu.memory_space<vmem>>, vector<1x134x128xf32>
    %swap3A_59 = vector.shape_cast %swap3A_58 : vector<1x134x128xf32> to vector<134x128xf32>
    %swap3A_60 = vector.shape_cast %tanh3A_55 : vector<134x128xf32> to vector<1x134x128xf32>
    tpu.vector_store %arg6[%swap3A, %swap3A_56, %swap3A_57], %swap3A_60 {strides = array<i32>} : memref<3x134x128xf32, #tpu.memory_space<vmem>>, vector<1x134x128xf32>,
    %get3A_61 = arith.constant 1 : index
    %get3A_62 = arith.constant 0 : index
    %get3A_63 = arith.constant 0 : index
    %get3A_64 = vector.load %arg0[%get3A_61, %get3A_62, %get3A_63] : memref<3x134x128xf32, #tpu.memory_space<vmem>>, vector<1x134x128xf32>
    %get3A_65 = vector.shape_cast %get3A_64 : vector<1x134x128xf32> to vector<134x128xf32>
    %dot_general3A_66 = arith.constant dense<0.000000e+00> : vector<134x384xf32>
    %dot_general3A_67 = tpu.matmul %get3A_65, %get3A_4, %dot_general3A_66 {dimension_numbers = #tpu.dot_dimension_numbers<[1], [1], [0], [0], [0, 0, 1, 0], [], []>, transpose_lhs_hint = false} : vector<134x128xf32>, vector<384x128xf32>, vector<134x384xf32> -> vector<134x384xf32>
    %add3A_68 = vector.broadcast %get3A_10 : vector<1x384xf32> to vector<134x384xf32>
    %add3A_69 = arith.addf %dot_general3A_67, %add3A_68 : vector<134x384xf32>
    %dot_general3A_70 = arith.constant dense<0.000000e+00> : vector<134x384xf32>
    %dot_general3A_71 = tpu.matmul %add3A_54, %get3A_7, %dot_general3A_70 {dimension_numbers = #tpu.dot_dimension_numbers<[1], [1], [0], [0], [0, 0, 1, 0], [], []>, transpose_lhs_hint = false} : vector<134x128xf32>, vector<384x128xf32>, vector<134x384xf32> -> vector<134x384xf32>
    %add3A_72 = vector.broadcast %get3A_13 : vector<1x384xf32> to vector<134x384xf32>
    %add3A_73 = arith.addf %dot_general3A_71, %add3A_72 : vector<134x384xf32>
    %slice3A_74 = vector.extract_strided_slice %add3A_69 {offsets = [0, 0], sizes = [134, 128], strides = [1, 1]} : vector<134x384xf32> to vector<134x128xf32>
    %slice3A_75 = vector.extract_strided_slice %add3A_73 {offsets = [0, 0], sizes = [134, 128], strides = [1, 1]} : vector<134x384xf32> to vector<134x128xf32>
    %add3A_76 = arith.addf %slice3A_74, %slice3A_75 : vector<134x128xf32>
    %neg3A_77 = arith.constant 0.000000e+00 : f32
    %neg3A_78 = vector.broadcast %neg3A_77 : f32 to vector<134x128xf32>
    %neg3A_79 = arith.subf %neg3A_78, %add3A_76 : vector<134x128xf32>
    %exp3A_80 = math.exp %neg3A_79 : vector<134x128xf32>
    %add3A_81 = arith.constant 1.000000e+00 : f32
    %add3A_82 = vector.broadcast %add3A_81 : f32 to vector<134x128xf32>
    %add3A_83 = arith.addf %add3A_82, %exp3A_80 : vector<134x128xf32>
    %div3A_84 = arith.constant 1.000000e+00 : f32
    %div3A_85 = vector.broadcast %div3A_84 : f32 to vector<134x128xf32>
    %div3A_86 = arith.divf %div3A_85, %add3A_83 : vector<134x128xf32>
    %slice3A_87 = vector.extract_strided_slice %add3A_69 {offsets = [0, 128], sizes = [134, 128], strides = [1, 1]} : vector<134x384xf32> to vector<134x128xf32>
    %slice3A_88 = vector.extract_strided_slice %add3A_73 {offsets = [0, 128], sizes = [134, 128], strides = [1, 1]} : vector<134x384xf32> to vector<134x128xf32>
    %add3A_89 = arith.addf %slice3A_87, %slice3A_88 : vector<134x128xf32>
    %neg3A_90 = arith.constant 0.000000e+00 : f32
    %neg3A_91 = vector.broadcast %neg3A_90 : f32 to vector<134x128xf32>
    %neg3A_92 = arith.subf %neg3A_91, %add3A_89 : vector<134x128xf32>
    %exp3A_93 = math.exp %neg3A_92 : vector<134x128xf32>
    %add3A_94 = arith.constant 1.000000e+00 : f32
    %add3A_95 = vector.broadcast %add3A_94 : f32 to vector<134x128xf32>
    %add3A_96 = arith.addf %add3A_95, %exp3A_93 : vector<134x128xf32>
    %div3A_97 = arith.constant 1.000000e+00 : f32
    %div3A_98 = vector.broadcast %div3A_97 : f32 to vector<134x128xf32>
    %div3A_99 = arith.divf %div3A_98, %add3A_96 : vector<134x128xf32>
    %slice3A_100 = vector.extract_strided_slice %add3A_69 {offsets = [0, 256], sizes = [134, 128], strides = [1, 1]} : vector<134x384xf32> to vector<134x128xf32>
    %slice3A_101 = vector.extract_strided_slice %add3A_73 {offsets = [0, 256], sizes = [134, 128], strides = [1, 1]} : vector<134x384xf32> to vector<134x128xf32>
    %mul3A_102 = arith.mulf %div3A_86, %slice3A_101 : vector<134x128xf32>
    %add3A_103 = arith.addf %slice3A_100, %mul3A_102 : vector<134x128xf32>
    %tanh3A_104 = math.tanh %add3A_103 : vector<134x128xf32>
    %sub3A_105 = arith.constant 1.000000e+00 : f32
    %sub3A_106 = vector.broadcast %sub3A_105 : f32 to vector<134x128xf32>
    %sub3A_107 = arith.subf %sub3A_106, %div3A_99 : vector<134x128xf32>
    %mul3A_108 = arith.mulf %sub3A_107, %tanh3A_104 : vector<134x128xf32>
    %mul3A_109 = arith.mulf %div3A_99, %add3A_54 : vector<134x128xf32>
    %add3A_110 = arith.addf %mul3A_108, %mul3A_109 : vector<134x128xf32>
    %tanh3A_111 = math.tanh %add3A_110 : vector<134x128xf32>
    %swap3A_112 = arith.constant 1 : index
    %swap3A_113 = arith.constant 0 : index
    %swap3A_114 = arith.constant 0 : index
    %swap3A_115 = vector.load %arg6[%swap3A_112, %swap3A_113, %swap3A_114] : memref<3x134x128xf32, #tpu.memory_space<vmem>>, vector<1x134x128xf32>
    %swap3A_116 = vector.shape_cast %swap3A_115 : vector<1x134x128xf32> to vector<134x128xf32>
    %swap3A_117 = vector.shape_cast %tanh3A_111 : vector<134x128xf32> to vector<1x134x128xf32>
    tpu.vector_store %arg6[%swap3A_112, %swap3A_113, %swap3A_114], %swap3A_117 {strides = array<i32>} : memref<3x134x128xf32, #tpu.memory_space<vmem>>, vector<1x134x128xf32>,
    %get3A_118 = arith.constant 2 : index
    %get3A_119 = arith.constant 0 : index
    %get3A_120 = arith.constant 0 : index
    %get3A_121 = vector.load %arg0[%get3A_118, %get3A_119, %get3A_120] : memref<3x134x128xf32, #tpu.memory_space<vmem>>, vector<1x134x128xf32>
    %get3A_122 = vector.shape_cast %get3A_121 : vector<1x134x128xf32> to vector<134x128xf32>
    %dot_general3A_123 = arith.constant dense<0.000000e+00> : vector<134x384xf32>
    %dot_general3A_124 = tpu.matmul %get3A_122, %get3A_4, %dot_general3A_123 {dimension_numbers = #tpu.dot_dimension_numbers<[1], [1], [0], [0], [0, 0, 1, 0], [], []>, transpose_lhs_hint = false} : vector<134x128xf32>, vector<384x128xf32>, vector<134x384xf32> -> vector<134x384xf32>
    %add3A_125 = vector.broadcast %get3A_10 : vector<1x384xf32> to vector<134x384xf32>
    %add3A_126 = arith.addf %dot_general3A_124, %add3A_125 : vector<134x384xf32>
    %dot_general3A_127 = arith.constant dense<0.000000e+00> : vector<134x384xf32>
    %dot_general3A_128 = tpu.matmul %add3A_110, %get3A_7, %dot_general3A_127 {dimension_numbers = #tpu.dot_dimension_numbers<[1], [1], [0], [0], [0, 0, 1, 0], [], []>, transpose_lhs_hint = false} : vector<134x128xf32>, vector<384x128xf32>, vector<134x384xf32> -> vector<134x384xf32>
    %add3A_129 = vector.broadcast %get3A_13 : vector<1x384xf32> to vector<134x384xf32>
    %add3A_130 = arith.addf %dot_general3A_128, %add3A_129 : vector<134x384xf32>
    %slice3A_131 = vector.extract_strided_slice %add3A_126 {offsets = [0, 0], sizes = [134, 128], strides = [1, 1]} : vector<134x384xf32> to vector<134x128xf32>
    %slice3A_132 = vector.extract_strided_slice %add3A_130 {offsets = [0, 0], sizes = [134, 128], strides = [1, 1]} : vector<134x384xf32> to vector<134x128xf32>
    %add3A_133 = arith.addf %slice3A_131, %slice3A_132 : vector<134x128xf32>
    %neg3A_134 = arith.constant 0.000000e+00 : f32
    %neg3A_135 = vector.broadcast %neg3A_134 : f32 to vector<134x128xf32>
    %neg3A_136 = arith.subf %neg3A_135, %add3A_133 : vector<134x128xf32>
    %exp3A_137 = math.exp %neg3A_136 : vector<134x128xf32>
    %add3A_138 = arith.constant 1.000000e+00 : f32
    %add3A_139 = vector.broadcast %add3A_138 : f32 to vector<134x128xf32>
    %add3A_140 = arith.addf %add3A_139, %exp3A_137 : vector<134x128xf32>
    %div3A_141 = arith.constant 1.000000e+00 : f32
    %div3A_142 = vector.broadcast %div3A_141 : f32 to vector<134x128xf32>
    %div3A_143 = arith.divf %div3A_142, %add3A_140 : vector<134x128xf32>
    %slice3A_144 = vector.extract_strided_slice %add3A_126 {offsets = [0, 128], sizes = [134, 128], strides = [1, 1]} : vector<134x384xf32> to vector<134x128xf32>
    %slice3A_145 = vector.extract_strided_slice %add3A_130 {offsets = [0, 128], sizes = [134, 128], strides = [1, 1]} : vector<134x384xf32> to vector<134x128xf32>
    %add3A_146 = arith.addf %slice3A_144, %slice3A_145 : vector<134x128xf32>
    %neg3A_147 = arith.constant 0.000000e+00 : f32
    %neg3A_148 = vector.broadcast %neg3A_147 : f32 to vector<134x128xf32>
    %neg3A_149 = arith.subf %neg3A_148, %add3A_146 : vector<134x128xf32>
    %exp3A_150 = math.exp %neg3A_149 : vector<134x128xf32>
    %add3A_151 = arith.constant 1.000000e+00 : f32
    %add3A_152 = vector.broadcast %add3A_151 : f32 to vector<134x128xf32>
    %add3A_153 = arith.addf %add3A_152, %exp3A_150 : vector<134x128xf32>
    %div3A_154 = arith.constant 1.000000e+00 : f32
    %div3A_155 = vector.broadcast %div3A_154 : f32 to vector<134x128xf32>
    %div3A_156 = arith.divf %div3A_155, %add3A_153 : vector<134x128xf32>
    %slice3A_157 = vector.extract_strided_slice %add3A_126 {offsets = [0, 256], sizes = [134, 128], strides = [1, 1]} : vector<134x384xf32> to vector<134x128xf32>
    %slice3A_158 = vector.extract_strided_slice %add3A_130 {offsets = [0, 256], sizes = [134, 128], strides = [1, 1]} : vector<134x384xf32> to vector<134x128xf32>
    %mul3A_159 = arith.mulf %div3A_143, %slice3A_158 : vector<134x128xf32>
    %add3A_160 = arith.addf %slice3A_157, %mul3A_159 : vector<134x128xf32>
    %tanh3A_161 = math.tanh %add3A_160 : vector<134x128xf32>
    %sub3A_162 = arith.constant 1.000000e+00 : f32
    %sub3A_163 = vector.broadcast %sub3A_162 : f32 to vector<134x128xf32>
    %sub3A_164 = arith.subf %sub3A_163, %div3A_156 : vector<134x128xf32>
    %mul3A_165 = arith.mulf %sub3A_164, %tanh3A_161 : vector<134x128xf32>
    %mul3A_166 = arith.mulf %div3A_156, %add3A_110 : vector<134x128xf32>
    %add3A_167 = arith.addf %mul3A_165, %mul3A_166 : vector<134x128xf32>
    %tanh3A_168 = math.tanh %add3A_167 : vector<134x128xf32>
    %swap3A_169 = arith.constant 2 : index
    %swap3A_170 = arith.constant 0 : index
    %swap3A_171 = arith.constant 0 : index
    %swap3A_172 = vector.load %arg6[%swap3A_169, %swap3A_170, %swap3A_171] : memref<3x134x128xf32, #tpu.memory_space<vmem>>, vector<1x134x128xf32>
    %swap3A_173 = vector.shape_cast %swap3A_172 : vector<1x134x128xf32> to vector<134x128xf32>
    %swap3A_174 = vector.shape_cast %tanh3A_168 : vector<134x128xf32> to vector<1x134x128xf32>
    tpu.vector_store %arg6[%swap3A_169, %swap3A_170, %swap3A_171], %swap3A_174 {strides = array<i32>} : memref<3x134x128xf32, #tpu.memory_space<vmem>>, vector<1x134x128xf32>,
    return
  }
}

module attributes {stable_mosaic.version = 14 : i64} {
  func.func @_entout_body(%arg0: i32, %arg1: memref<2x1024x128xf32, #tpu.memory_space<vmem>>, %arg2: memref<1024x1xf32, #tpu.memory_space<vmem>>, %arg3: memref<128x128xf32, #tpu.memory_space<vmem>>, %arg4: memref<1024x128xf32, #tpu.memory_space<vmem>>) attributes {dimension_semantics = [#tpu.dimension_semantics<arbitrary>], iteration_bounds = array<i64: 10>, scalar_prefetch = 0 : i64, scratch_operands = 0 : i64, tpu.core_type = #tpu.core_type<tc>, window_params = [{transform_indices = @transform_0, window_bounds = array<i64: 2, 1024, 128>}, {transform_indices = @transform_1, window_bounds = array<i64: 1024, 1>}, {pipeline_mode = #tpu.pipeline_mode<synchronous>, transform_indices = @transform_2, window_bounds = array<i64: 128, 128>}, {transform_indices = @transform_3, window_bounds = array<i64: 1024, 128>}]} {
    %get3A = arith.constant 0 : index
    %get3A_0 = arith.constant 0 : index
    %get3A_1 = arith.constant 0 : index
    %get3A_2 = vector.load %arg1[%get3A, %get3A_0, %get3A_1] : memref<2x1024x128xf32, #tpu.memory_space<vmem>>, vector<1x1024x128xf32>
    %get3A_3 = vector.shape_cast %get3A_2 : vector<1x1024x128xf32> to vector<1024x128xf32>
    %get3A_4 = arith.constant 1 : index
    %get3A_5 = arith.constant 0 : index
    %get3A_6 = arith.constant 0 : index
    %get3A_7 = vector.load %arg1[%get3A_4, %get3A_5, %get3A_6] : memref<2x1024x128xf32, #tpu.memory_space<vmem>>, vector<1x1024x128xf32>
    %get3A_8 = vector.shape_cast %get3A_7 : vector<1x1024x128xf32> to vector<1024x128xf32>
    %add3A = arith.addf %get3A_3, %get3A_8 : vector<1024x128xf32>
    %get3A_9 = arith.constant 0 : index
    %get3A_10 = arith.constant 0 : index
    %get3A_11 = vector.load %arg2[%get3A_9, %get3A_10] : memref<1024x1xf32, #tpu.memory_space<vmem>>, vector<1024x1xf32>
    %gt3A = arith.constant 0.000000e+00 : f32
    %gt3A_12 = vector.broadcast %gt3A : f32 to vector<1024x1xf32>
    %gt3A_13 = arith.cmpf ogt, %get3A_11, %gt3A_12 : vector<1024x1xf32>
    %gt3A_14 = arith.constant 0.000000e+00 : f32
    %gt3A_15 = vector.broadcast %gt3A_14 : f32 to vector<1024x1xf32>
    %gt3A_16 = arith.cmpf ogt, %get3A_11, %gt3A_15 : vector<1024x1xf32>
    %jit3A = arith.constant 1.000000e+00 : f32
    %broadcast_in_dim3A = vector.broadcast %jit3A : f32 to vector<1024x1xf32>
    %select_n3A = arith.select %gt3A_16, %get3A_11, %broadcast_in_dim3A : vector<1024x1xi1>, vector<1024x1xf32>
    %div3A = arith.constant 1.000000e+00 : f32
    %div3A_17 = vector.broadcast %div3A : f32 to vector<1024x1xf32>
    %div3A_18 = arith.divf %div3A_17, %select_n3A : vector<1024x1xf32>
    %jit3A_19 = arith.constant 0.000000e+00 : f32
    %broadcast_in_dim3A_20 = vector.broadcast %jit3A_19 : f32 to vector<1024x1xf32>
    %select_n3A_21 = arith.select %gt3A_13, %div3A_18, %broadcast_in_dim3A_20 : vector<1024x1xi1>, vector<1024x1xf32>
    %mul3A = vector.broadcast %select_n3A_21 : vector<1024x1xf32> to vector<1024x128xf32>
    %mul3A_22 = arith.mulf %add3A, %mul3A : vector<1024x128xf32>
    %get3A_23 = arith.constant 0 : index
    %get3A_24 = arith.constant 0 : index
    %get3A_25 = vector.load %arg3[%get3A_23, %get3A_24] : memref<128x128xf32, #tpu.memory_space<vmem>>, vector<128x128xf32>
    %dot_general3A = arith.constant dense<0.000000e+00> : vector<1024x128xf32>
    %dot_general3A_26 = tpu.matmul %mul3A_22, %get3A_25, %dot_general3A {dimension_numbers = #tpu.dot_dimension_numbers<[1], [0], [0], [1], [0, 0, 1, 1], [], []>, transpose_lhs_hint = false} : vector<1024x128xf32>, vector<128x128xf32>, vector<1024x128xf32> -> vector<1024x128xf32>
    %tanh3A = math.tanh %dot_general3A_26 : vector<1024x128xf32>
    %swap3A = arith.constant 0 : index
    %swap3A_27 = arith.constant 0 : index
    %swap3A_28 = vector.load %arg4[%swap3A, %swap3A_27] : memref<1024x128xf32, #tpu.memory_space<vmem>>, vector<1024x128xf32>
    tpu.vector_store %arg4[%swap3A, %swap3A_27], %tanh3A {strides = array<i32>} : memref<1024x128xf32, #tpu.memory_space<vmem>>, vector<1024x128xf32>,
    return
  }
  func.func @transform_0(%arg0: i32) -> (i32, i32, i32) {
    %c0_i32 = arith.constant 0 : i32
    %c0_i32_0 = arith.constant 0 : i32
    %c0_i32_1 = arith.constant 0 : i32
    return %c0_i32, %arg0, %c0_i32_0 : i32, i32, i32
  }
  func.func @transform_1(%arg0: i32) -> (i32, i32) {
    %c0_i32 = arith.constant 0 : i32
    %c0_i32_0 = arith.constant 0 : i32
    return %arg0, %c0_i32 : i32, i32
  }
  func.func @transform_2(%arg0: i32) -> (i32, i32) {
    %c0_i32 = arith.constant 0 : i32
    %c0_i32_0 = arith.constant 0 : i32
    %c0_i32_1 = arith.constant 0 : i32
    return %c0_i32, %c0_i32_0 : i32, i32
  }
  func.func @transform_3(%arg0: i32) -> (i32, i32) {
    %c0_i32 = arith.constant 0 : i32
    %c0_i32_0 = arith.constant 0 : i32
    return %arg0, %c0_i32 : i32, i32
  }
}

module attributes {stable_mosaic.version = 14 : i64} {
  func.func @_score_body(%arg0: i32, %arg1: memref<1024x128xf32, #tpu.memory_space<vmem>>, %arg2: memref<2048x128xf32, #tpu.memory_space<vmem>>, %arg3: memref<1024x2048xf32, #tpu.memory_space<vmem>>) attributes {dimension_semantics = [#tpu.dimension_semantics<arbitrary>], iteration_bounds = array<i64: 5>, scalar_prefetch = 0 : i64, scratch_operands = 0 : i64, tpu.core_type = #tpu.core_type<tc>, window_params = [{pipeline_mode = #tpu.pipeline_mode<synchronous>, transform_indices = @transform_0, window_bounds = array<i64: 1024, 128>}, {transform_indices = @transform_1, window_bounds = array<i64: 2048, 128>}, {transform_indices = @transform_2, window_bounds = array<i64: 1024, 2048>}]} {
    %get3A = arith.constant 0 : index
    %get3A_0 = arith.constant 0 : index
    %get3A_1 = vector.load %arg1[%get3A, %get3A_0] : memref<1024x128xf32, #tpu.memory_space<vmem>>, vector<1024x128xf32>
    %get3A_2 = arith.constant 0 : index
    %get3A_3 = arith.constant 0 : index
    %get3A_4 = vector.load %arg2[%get3A_2, %get3A_3] : memref<2048x128xf32, #tpu.memory_space<vmem>>, vector<2048x128xf32>
    %dot_general3A = arith.constant dense<0.000000e+00> : vector<1024x2048xf32>
    %dot_general3A_5 = tpu.matmul %get3A_1, %get3A_4, %dot_general3A {dimension_numbers = #tpu.dot_dimension_numbers<[1], [1], [0], [0], [0, 0, 1, 0], [], []>, transpose_lhs_hint = false} : vector<1024x128xf32>, vector<2048x128xf32>, vector<1024x2048xf32> -> vector<1024x2048xf32>
    %neg3A = arith.constant 0.000000e+00 : f32
    %neg3A_6 = vector.broadcast %neg3A : f32 to vector<1024x2048xf32>
    %neg3A_7 = arith.subf %neg3A_6, %dot_general3A_5 : vector<1024x2048xf32>
    %exp3A = math.exp %neg3A_7 : vector<1024x2048xf32>
    %add3A = arith.constant 1.000000e+00 : f32
    %add3A_8 = vector.broadcast %add3A : f32 to vector<1024x2048xf32>
    %add3A_9 = arith.addf %add3A_8, %exp3A : vector<1024x2048xf32>
    %div3A = arith.constant 1.000000e+00 : f32
    %div3A_10 = vector.broadcast %div3A : f32 to vector<1024x2048xf32>
    %div3A_11 = arith.divf %div3A_10, %add3A_9 : vector<1024x2048xf32>
    %swap3A = arith.constant 0 : index
    %swap3A_12 = arith.constant 0 : index
    %swap3A_13 = vector.load %arg3[%swap3A, %swap3A_12] : memref<1024x2048xf32, #tpu.memory_space<vmem>>, vector<1024x2048xf32>
    tpu.vector_store %arg3[%swap3A, %swap3A_12], %div3A_11 {strides = array<i32>} : memref<1024x2048xf32, #tpu.memory_space<vmem>>, vector<1024x2048xf32>,
    return
  }
  func.func @transform_0(%arg0: i32) -> (i32, i32) {
    %c0_i32 = arith.constant 0 : i32
    %c0_i32_0 = arith.constant 0 : i32
    %c0_i32_1 = arith.constant 0 : i32
    return %c0_i32, %c0_i32_0 : i32, i32
  }
  func.func @transform_1(%arg0: i32) -> (i32, i32) {
    %c0_i32 = arith.constant 0 : i32
    %c0_i32_0 = arith.constant 0 : i32
    return %arg0, %c0_i32 : i32, i32
  }
  func.func @transform_2(%arg0: i32) -> (i32, i32) {
    %c0_i32 = arith.constant 0 : i32
    %c0_i32_0 = arith.constant 0 : i32
    return %c0_i32, %arg0 : i32, i32
  }
}

</mosaic_0001>

<sc_bundles>
// kernel: kernel.10.cloned.1.call-start
scs
__scs_entry_jumppad:
0x0: {  	(pc) =	sbr.rel $0x88, $3  }
0x1: {  	(tag) =	ssettag $0x0;
	lr =	simm.s32 $0x1  }
0x2: {  	[smem:$0x3F95] =	sst lr;
	_ =	strace $0xD0000000  }
0x3: {  	_ = 	snop  }
0x4: {  	_ = 	snop  }
0x5: {  	_ = 	snop  }
0x6: {  	_ = 	snop  }
0x7: {  	_ = 	snop  }
__scs_overlays_trampoline_lowered:
0x8: {  	[smem:$0x3FA4] =	sst s0  }
0x9: {  	[smem:$0x3FA5] =	sst s1  }
0xa: {  	[smem:$0x3FA6] =	sst s2  }
0xb: {  	[smem:$0x3FA7] =	sst s3  }
0xc: {  	[smem:$0x3FA8] =	sst s4  }
0xd: {  	[smem:$0x3FA9] =	sst s5  }
0xe: {  	[smem:$0x3FAA] =	sst s6  }
0xf: {  	[smem:$0x3FAB] =	sst s7  }
0x10: {  	[smem:$0x3FAC] =	sst s8  }
0x11: {  	[smem:$0x3FAD] =	sst s9;
	s0 =	simm.s32 @!p0 $0x0  }
0x12: {  	s1 =	sld [smem:$0x3F93];
	s0 =	simm.s32 @p0 $0x1  }
0x13: {  	[smem:$0x3FAE] =	sst s0;
	s0 =	simm.s32 @!p1 $0x0  }
0x14: {  	s2 =	sld [smem:$0x3F92];
	s0 =	simm.s32 @p1 $0x1  }
0x15: {  	[smem:$0x3FAF] =	sst s0;
	s0 =	simm.s32 @!p2 $0x0  }
0x16: {  	s3 =	sld [smem:$0x3FDB];
	s0 =	simm.s32 @p2 $0x1  }
0x17: {  	s4 =	simm.s32 $0x1BF5;
	[smem:$0x3FB1] =	sst s0  }
0x18: {  	s0 =	sld [smem:$0x3F94];
	_ =	swait.ge [sflag:s4], $0x0  }
0x19: {  	s7 =	sld [smem:$0x3F95]  }
0x1a: {  	s8 =	sadd.s32 $0xFFFFE003, lr  }
0x1b: {  	s9 =	sadd.s32 $0xFFFFFEF7, lr;
	s5 =	simm.s32 $0xFFFFFFFF;
	p2 =	slt.u32 s8, $0xFFFFF086  }
0x1c: {  	p1 =	slt.u32 s9, $0xF7A;
	s5 =	simm.s32 @!p2 $0x0  }
0x1d: {  	s5 =	simm.s32 @p1 $0x1;
	p0 =	seq.s32 s7, s2  }
0x1e: {  	s7 =	smul.u32 @!p0 $0xF7A, s2;
	p2 =	seq.s32 @!p0 s5, $0x0  }
0x1f: {  	s9 =	smul.u32 $0xF7A, s1;
	s8 =	simm.s32 @!p0 $0x1BF5;
	p2 =	por !p2, p0  }
0x20: {  	[sflag:s8] =	ssyncset.s32 @!p0 $0xFFFFF086;
	s6 =	sadd.s32 @!p0 s3, s7;
	s7 =	simm.s32 @!p0 $0x108  }
0x21: {  	s3 =	sadd.s32 s3, s9;
	s6 =	sadd.s32 @!p0 $0x88, s6;
	s7 =	simm.s32 @p2 $0x1082  }
0x22: {  	[simem:s7], [sflag:s8] =	dma.local @!p0 [hbm:s6], $0xF7A  }
0x23: {  	s9 =	sor.u32 $0xD0000000, s2;
	s6 =	simm.s32 $0x108;
	_ =	swait.ge @!p0 [sflag:s8], $0x0  }
0x24: {  	s3 =	sadd.s32 $0x88, s3;
	s6 =	simm.s32 @!p1 $0x1082;
	[sflag:s4] =	ssyncset.s32 $0xFFFFF086  }
0x25: {  	[simem:s6], [sflag:s4] =	dma.local [hbm:s3], $0xF7A  }
0x26: {  	[smem:$0x3F95] =	sst s1;
	(tag) =	ssettag s2;
	_ =	strace s9  }
0x27: {  	s1 =	sld [smem:$0x3FA5]  }
0x28: {  	s2 =	sld [smem:$0x3FA6]  }
0x29: {  	s4 =	sld [smem:$0x3FA8]  }
0x2a: {  	p0 =	seq.s32 s5, $0x0;
	s5 =	sld [smem:$0x3FA9]  }
0x2b: {  	s6 =	sld [smem:$0x3FAA]  }
0x2c: {  	s7 =	sld [smem:$0x3FAB]  }
0x2d: {  	s3 =	simm.s32 $0x108;
	s8 =	sld [smem:$0x3FAC]  }
0x2e: {  	s3 =	simm.s32 @!p0 $0x1082;
	s9 =	sld [smem:$0x3FAD]  }
0x2f: {  	lr =	sadd.s32 s0, s3;
	s0 =	sld [smem:$0x3FA4]  }
0x30: {  	s3 =	sld [smem:$0x3FA7]  }
0x31: {  	[smem:$0x3FB0] =	sst s10  }
0x32: {  	s10 =	sld [smem:$0x3FAE];
	_ =	sdelay $0x3  }
0x33: {  	p0 =	seq.s32 s10, $0x1;
	s10 =	sld [smem:$0x3FB0];
	_ =	sdelay $0x3  }
0x34: {  	[smem:$0x3FB0] =	sst s10  }
0x35: {  	s10 =	sld [smem:$0x3FAF];
	_ =	sdelay $0x3  }
0x36: {  	p1 =	seq.s32 s10, $0x1;
	s10 =	sld [smem:$0x3FB0];
	_ =	sdelay $0x3  }
0x37: {  	[smem:$0x3FB0] =	sst s10  }
0x38: {  	s10 =	sld [smem:$0x3FB1]  }
0x39: {  	_ = 	snop;
	(pc) =	sbr.ind lr, $3  }
0x3a: {  	_ = 	snop  }
0x3b: {  	_ = 	snop  }
0x3c: {  	p2 =	seq.s32 s10, $0x1;
	s10 =	sld [smem:$0x3FB0]  }
0x3d: {  	_ =	shalt  }
0x3e: {  	_ =	shalt  }
0x3f: {  	_ =	shalt  }
0x40: {  	_ =	shalt  }
0x41: {  	_ =	shalt  }
0x42: {  	_ =	shalt  }
0x43: {  	_ =	shalt  }
0x44: {  	_ =	shalt  }
0x45: {  	_ =	shalt  }
0x46: {  	_ =	shalt  }
0x47: {  	_ =	shalt  }
0x48: {  	_ =	shalt  }
0x49: {  	_ =	shalt  }
0x4a: {  	_ =	shalt  }
0x4b: {  	_ =	shalt  }
0x4c: {  	_ =	shalt  }
0x4d: {  	_ =	shalt  }
0x4e: {  	_ =	shalt  }
0x4f: {  	_ =	shalt  }
0x50: {  	_ =	shalt  }
0x51: {  	_ =	shalt  }
0x52: {  	_ =	shalt  }
0x53: {  	_ =	shalt  }
0x54: {  	_ =	shalt  }
0x55: {  	_ =	shalt  }
0x56: {  	_ =	shalt  }
0x57: {  	_ =	shalt  }
0x58: {  	_ =	shalt  }
0x59: {  	_ =	shalt  }
0x5a: {  	_ =	shalt  }
0x5b: {  	_ =	shalt  }
0x5c: {  	_ =	shalt  }
0x5d: {  	_ =	shalt  }
0x5e: {  	_ =	shalt  }
0x5f: {  	_ =	shalt  }
0x60: {  	_ =	shalt  }
0x61: {  	_ =	shalt  }
0x62: {  	_ =	shalt  }
0x63: {  	_ =	shalt  }
0x64: {  	_ =	shalt  }
0x65: {  	_ =	shalt  }
0x66: {  	_ =	shalt  }
0x67: {  	_ =	shalt  }
0x68: {  	_ =	shalt  }
0x69: {  	_ =	shalt  }
0x6a: {  	_ =	shalt  }
0x6b: {  	_ =	shalt  }
0x6c: {  	_ =	shalt  }
0x6d: {  	_ =	shalt  }
0x6e: {  	_ =	shalt  }
0x6f: {  	_ =	shalt  }
0x70: {  	_ =	shalt  }
0x71: {  	_ =	shalt  }
0x72: {  	_ =	shalt  }
0x73: {  	_ =	shalt  }
0x74: {  	_ =	shalt  }
0x75: {  	_ =	shalt  }
0x76: {  	_ =	shalt  }
0x77: {  	_ =	shalt  }
0x78: {  	_ =	shalt  }
0x79: {  	_ =	shalt  }
0x7a: {  	_ =	shalt  }
0x7b: {  	_ =	shalt  }
0x7c: {  	_ =	shalt  }
0x7d: {  	_ =	shalt  }
0x7e: {  	_ =	shalt  }
0x7f: {  	_ =	shalt  }
0x80: {  	_ =	shalt  }
0x81: {  	_ =	shalt  }
0x82: {  	_ =	shalt  }
0x83: {  	_ =	shalt  }
0x84: {  	_ =	shalt  }
0x85: {  	_ =	shalt  }
0x86: {  	_ =	shalt  }
0x87: {  	_ =	shalt  }
.Lfunc_end0:
.L_simem_size_0:
called_computation.1_lowered:
.L_overlay_start_0:
0x88: {  	s2 =	sld [smem:$0x3FD9]  }
0x89: {  	s3 =	sld [smem:$0x3FFE];
	_ =	sdelay $0x1  }
0x8a: {  	s1 =	srdreg.scid  }
0x8b: {  	s0 =	sand.u32 $0x1, s1  }
0x8c: {  	s17 =	sshll.u32 s0, $0xA;
	s2 =	sadd.s32 s3, s2  }
0x8d: {  	s2 =	sadd.s32 s2, s17  }
0x8e: {  	[smem:$0x3FBC] =	sst s2  }
0x8f: {  	_ = 	snop  }
0x90: {  	s2 =	sld [smem:$0x3FC9]  }
0x91: {  	s18 =	sld [smem:$0x3FC8]  }
0x92: {  	s4 =	sld [smem:$0x3FD0];
	(tm) =	ssettm $0x1  }
0x93: {  	s5 =	sld [smem:$0x3FFB];
	_ =	sdelay $0x3  }
0x94: {  	_ =	strace s5  }
0x95: {  	s5 =	sld [smem:$0x3FFC];
	_ =	sdelay $0x3  }
0x96: {  	_ =	strace s5  }
0x97: {  	s5 =	sld [smem:$0x3FFD];
	_ =	sdelay $0x3  }
0x98: {  	_ =	strace s5  }
0x99: {  	_ =	strace $0x8FFFFFFF  }
0x9a: {  	s19 =	sld [smem:$0x3FDB];
	_ =	sdelay $0x1  }
0x9b: {  	s6 =	simm.s32 $_scs_section_size  }
0x9c: {  	s7 =	simm.s32 $_size__tile_overlayer_lowered;
	s8 =	simm.s32 $_tile_overlayer_lowered  }
0x9d: {  	s22 =	simm.s32 $0x1BFF;
	s21 =	sshll.u32 s8, $0x1;
	s5 =	sadd.s32 s6, s19  }
0x9e: {  	s9 =	simm.s32 $0x0;
	s20 =	sshll.u32 s7, $0x1;
	s7 =	sadd.s32 s21, s5  }
0x9f: {  	[timem:s9], [sflag:s22] =	dma.local [hbm:s7], s20  }
0xa0: {  	_ =	swait.ge [sflag:s22], s20  }
0xa1: {  	s6 =	ssub.s32 $0x0, s20;
	[sflag:s22] =	ssyncset.done $0x0  }
0xa2: {  	[sflag:s22] =	ssyncadd.s32 s6;
	_ =	sdelay $0x1  }
0xa3: {  	s23 =	simm.s32 $0x1B8B  }
0xa4: {  	_ =	swait.ge [sflag:s23], $0x1  }
0xa5: {  	[sflag:s23] =	ssyncset.done $0x0  }
0xa6: {  	s25 =	simm.s32 $0x1B8E;
	s24 =	sld [smem:$0x3FFE];
	[sflag:s23] =	ssyncadd.s32 $0xFFFFFFFF  }
0xa7: {  	s26 =	simm.s32 $execute0_lowered;
	[smem:$0x3FD2] =	sst s25  }
0xa8: {  	s7 =	sshll.u32 s26, $0x1;
	_ =	strace $0x80000049;
	[dreg:$0x1] =	wrdreg $0xFFFFFFFF  }
0xa9: {  	s28 =	simm.s32 $_size_execute0_lowered;
	s5 =	sadd.s32 s5, s7;
	[dreg:$0x0] =	wrdreg $0x0  }
0xaa: {  	s7 =	sshll.u32 s28, $0x1;
	[dreg:$0x2] =	wrdreg s5  }
0xab: {  	[dreg:$0x3] =	wrdreg s7  }
0xac: {  	[dreg:$0x4] =	wrdreg $0xC0  }
0xad: {  	_ =	task [dreg:s9], $0x5FFFF  }
0xae: {  	[dreg:$0x1] =	wrdreg $0xFFFFFFFF  }
0xaf: {  	[dreg:$0x0] =	wrdreg $0x60  }
0xb0: {  	[dreg:$0x2] =	wrdreg s2  }
0xb1: {  	[dreg:$0x3] =	wrdreg s18  }
0xb2: {  	[dreg:$0x4] =	wrdreg s4  }
0xb3: {  	[dreg:$0x5] =	wrdreg s24  }
0xb4: {  	[dreg:$0x6] =	wrdreg $0x9  }
0xb5: {  	_ =	task.clear_ibuf [dreg:s9], $0x7FFFF;
	_ =	strace $0x90000049  }
0xb6: {  	s29 =	simm.s32 $0x9;
	_ =	strace $0x8000004B  }
0xb7: {  	_ =	swait.ge [sflag:s29], $0x1  }
0xb8: {  	[sflag:s29] =	ssyncadd.s32 $0xFFFFFFFF  }
0xb9: {  	_ =	strace $0x9000004B  }
0xba: {  	_ =	sfence  }
0xbb: {  	s30 =	sld [smem:$0x0];
	_ =	sdelay $0x2  }
0xbc: {  	s31 =	sshll.u32 s1, $0xD;
	s1 =	sshrl.u32 s1, $0x2  }
0xbd: {  	s3 =	sand.u32 $0x4000, s31;
	s1 =	sadd.s32 s1, s30  }
0xbe: {  	s0 =	sor.u32 s3, s0;
	s1 =	sshll.u32 s1, $0x11  }
0xbf: {  	s0 =	sor.u32 s1, s0  }
0xc0: {  	s0 =	sadd.s32 $0x8F2B, s0  }
0xc1: {  	[sflag:s0] =	ssyncadd.remote.s32 $0x1  }
0xc2: {  	_ =	sfence.sel $0xFFFF  }
0xc3: {  	[dreg:$0x0] =	wrdreg $0xFFFFFFFF;
	(pc) =	sbr.abs _section_cstart, $3  }
0xc4: {  	[dreg:$0x1] =	wrdreg $0xFFFFFFFF  }
0xc5: {  	_ =	task.clear_ibuf [dreg:s9], $0x2FFFF;
	_ =	strace $0x9FFFFFFF  }
0xc6: {  	(tm) =	ssettm $0x7FFFFFFF  }
0xc7: {  	_ =	shalt  }
tec
execute0_lowered:
.L_overlay_start_1:
0x0: {  	(tag) =	ssettag $0x1  }
0x1: {  	s5 =	rddreg [dreg:$0x0]  }
0x2: {  	s6 =	rddreg [dreg:$0x1]  }
0x3: {  	s1 =	rddreg [dreg:$0x2]  }
0x4: {  	s7 =	rddreg [dreg:$0x3]  }
0x5: {  	s0 =	rddreg [dreg:$0x4]  }
0x6: {  	s4 =	srdreg.scid;
	s3 =	simm.s32 $0x0;
	s2 =	stileid.u32  }
0x7: {  	s11 =	simm.s32 $0x20;
	s12 =	simm.s32 $0x100;
	s13 =	simm.s32 $0x1  }
0x8: {  	s14 =	simm.s32 $0x1100;
	s15 =	simm.s32 $0x0;
	s8 =	sand.u32 $0x1, s4  }
0x9: {  	[smem:$0x7FF] =	sst s3;
	s30 =	sshll.u32 s2, $0x6;
	s9 =	sshll.u32 s8, $0x5  }
0xa: {  	s4 =	sadd.s32 $0x16000, s7;
	s8 =	ssub.s32 $0x2, s8;
	s9 =	sor.u32 s9, s30  }
0xb: {  	_ =	strace $0x8000004A;
	s31 =	sshrl.u32 s8, $0x1;
	s10 =	sshll.u32 s9, $0x4  }
0xc: {  	s9 =	sshrl.u32 s9, $0x3;
	s8 =	ssub.s32 s8, s31;
	s7 =	sadd.s32 s10, s7  }
0xd: {  	s5 =	sadd.s32 s5, s9;
	s6 =	sadd.s32 s6, s9;
	s8 =	smax.u32 s8, $0x1  }
0xe: {  	s9 =	simm.s32 $0x2;
	s10 =	simm.s32 $0x80;
	s7 =	sadd.s32 $0x1A00, s7  }
.LBB2_1:
0xf: {  	[tilespmem:s3], [sflag:$0x2] =	stream.linear.gather [hbm4b:s5+s3], $0x20, $0x38;
	[tilespmem:$0x2100] =	vst v63  }
0x10: {  	_ =	swait.ge [sflag:s9], $0x20  }
0x11: {  	[sflag:s9] =	ssyncset.done $0x0  }
0x12: {  	[sflag:s9] =	ssyncadd.s32 $0xFFFFFFE0  }
0x13: {  	[tilespmem:s10], [sflag:$0x2] =	stream.linear.gather [hbm4b:s6+s3], $0x20, $0x38;
	[tilespmem:$0x2100] =	vst v63  }
0x14: {  	_ =	swait.ge [sflag:s9], $0x20  }
0x15: {  	[sflag:s9] =	ssyncset.done $0x0  }
0x16: {  	[sflag:s9] =	ssyncadd.s32 $0xFFFFFFE0  }
0x17: {  	[tilespmem:s12], [sflag:$0x1] =	stream.indirect.gather [hbm4b:s1+s11], $0x80, s3, s11, $0xb8;
	[tilespmem:$0x2100] =	vst v63  }
0x18: {  	_ =	swait.ge [sflag:s13], $0x1000  }
0x19: {  	[sflag:s13] =	ssyncset.done $0x0  }
0x1a: {  	[sflag:s13] =	ssyncadd.s32 $0xFFFFF000  }
0x1b: {  	[tilespmem:s14], [sflag:$0x1] =	stream.indirect.gather [hbm4b:s4+s11], $0x80, s10, s11, $0xb8;
	[tilespmem:$0x2100] =	vst v63  }
0x1c: {  	_ =	swait.ge [sflag:s13], $0x1000  }
0x1d: {  	[sflag:s13] =	ssyncset.done $0x0  }
0x1e: {  	s16 =	simm.s32 $0x0;
	[sflag:s13] =	ssyncadd.s32 $0xFFFFF000  }
0x1f: {  	v7 =	vld [tilespmem:s16+$0x1100]  }
0x20: {  	v11 =	vld [tilespmem:s16+$0x1110]  }
0x21: {  	v5 =	vld [tilespmem:s16+$0x1120]  }
0x22: {  	v4 =	vld [tilespmem:s16+$0x1130]  }
0x23: {  	v3 =	vld [tilespmem:s16+$0x1140]  }
0x24: {  	v2 =	vld [tilespmem:s16+$0x1150]  }
0x25: {  	v1 =	vld [tilespmem:s16+$0x1160]  }
0x26: {  	v0 =	vld [tilespmem:s16+$0x1170]  }
0x27: {  	v12 =	vld [tilespmem:s16+$0x100]  }
0x28: {  	v13 =	vld [tilespmem:s16+$0x110]  }
0x29: {  	v10 =	vld [tilespmem:s16+$0x120]  }
0x2a: {  	v9 =	vld [tilespmem:s16+$0x130]  }
0x2b: {  	v8 =	vld [tilespmem:s16+$0x140]  }
0x2c: {  	v6 =	vld [tilespmem:s16+$0x150];
	v12 =	vmul.f32 v7, v12  }
0x2d: {  	s17 =	simm.s32 $0x200;
	v11 =	vmul.f32 v11, v13;
	v7 =	vld [tilespmem:s16+$0x160]  }
.LBB2_2:
0x2e: {  	s18 =	sshra.s32 s17, $0x2;
	p0 =	sne.s32 s17, $0x3E00;
	[tilespmem:s16+$0x100] =	vst v12;
	v5 =	vmul.f32 v5, v10;
	v10 =	vld [tilespmem:s16+$0x170]  }
0x2f: {  	v12 =	vld [tilespmem:s18+$0x1100];
	[tilespmem:s16+$0x110] =	vst v11;
	v4 =	vmul.f32 v4, v9  }
0x30: {  	v11 =	vld [tilespmem:s18+$0x1110];
	[tilespmem:s16+$0x120] =	vst v5;
	v3 =	vmul.f32 v3, v8  }
0x31: {  	v5 =	vld [tilespmem:s18+$0x1120];
	[tilespmem:s16+$0x130] =	vst v4;
	v2 =	vmul.f32 v2, v6  }
0x32: {  	v4 =	vld [tilespmem:s18+$0x1130];
	[tilespmem:s16+$0x140] =	vst v3;
	v1 =	vmul.f32 v1, v7  }
0x33: {  	v3 =	vld [tilespmem:s18+$0x1140];
	[tilespmem:s16+$0x150] =	vst v2;
	v0 =	vmul.f32 v0, v10  }
0x34: {  	v2 =	vld [tilespmem:s18+$0x1150];
	[tilespmem:s16+$0x160] =	vst v1  }
0x35: {  	v1 =	vld [tilespmem:s18+$0x1160];
	[tilespmem:s16+$0x170] =	vst v0;
	s16 =	smov.u32 s18  }
0x36: {  	v0 =	vld [tilespmem:s16+$0x1170]  }
0x37: {  	v6 =	vld [tilespmem:s16+$0x100]  }
0x38: {  	v7 =	vld [tilespmem:s16+$0x110]  }
.Ltmp0:
0x39: {  	v10 =	vld [tilespmem:s16+$0x120];
	(pc) =	sbr.rel @p0 .LBB2_2-.Ltmp0, $4  }
0x3a: {  	v9 =	vld [tilespmem:s16+$0x130]  }
0x3b: {  	v8 =	vld [tilespmem:s16+$0x140]  }
0x3c: {  	v12 =	vmul.f32 v12, v6;
	v6 =	vld [tilespmem:s16+$0x150]  }
0x3d: {  	s17 =	sadd.s32 $0x200, s17;
	v11 =	vmul.f32 v11, v7;
	v7 =	vld [tilespmem:s16+$0x160]  }
0x3e: {  	[tilespmem:s16+$0x100] =	vst v12;
	v5 =	vmul.f32 v5, v10;
	v63 =	vld [tilespmem:s16+$0x170]  }
0x3f: {  	[tilespmem:s16+$0x110] =	vst v11;
	v4 =	vmul.f32 v4, v9  }
0x40: {  	[tilespmem:s16+$0x120] =	vst v5;
	v3 =	vmul.f32 v3, v8  }
0x41: {  	[tilespmem:s16+$0x130] =	vst v4;
	v2 =	vmul.f32 v2, v6  }
0x42: {  	[tilespmem:s16+$0x140] =	vst v3;
	v1 =	vmul.f32 v1, v7  }
0x43: {  	s15 =	sadd.s32 $0x1, s15;
	[tilespmem:s16+$0x150] =	vst v2;
	v0 =	vmul.f32 v0, v63  }
0x44: {  	p0 =	sne.s32 s15, s8;
	[tilespmem:s16+$0x160] =	vst v1  }
.Ltmp1:
0x45: {  	[tilespmem:s16+$0x170] =	vst v0;
	(pc) =	sbr.rel @p0 .LBB2_1-.Ltmp1, $4  }
0x46: {  	[hbm4b:s7+s3] =	stream.linear.scatter [tilespmem:s12], [sflag:$0x2], $0x1000, $0x38;
	[tilespmem:$0x2100] =	vst v63  }
0x47: {  	_ =	swait.ge [sflag:s9], $0x1000  }
0x48: {  	[sflag:s9] =	ssyncset.done $0x0  }
0x49: {  	[sflag:s9] =	ssyncadd.s32 $0xFFFFF000  }
0x4a: {  	_ =	sfence.sel $0x180000  }
0x4b: {  	[bflag:$0x0] =	sbarrier.arrive $0xFFFF  }
0x4c: {  	p0 =	sne.s32 s2, $0x0;
	_ =	strace $0x9000004A  }
0x4d: {  	s0 =	sadd.s32 @!p0 $0x100000, s0;
	[bflag:$0x2] =	sbarrier.arrive $0xFFFF  }
0x4e: {  	[sflag:s0] =	ssyncadd.tile.s32 @!p0 $0x1;
	_ =	shalt  }
.Lfunc_end2:
_tile_overlayer_lowered:
.L_overlay_start_2:
0x4f: {  	(tag) =	ssettag $0x2  }
0x50: {  	s0 =	rddreg [dreg:$0x0];
	s2 =	stileid.u32  }
0x51: {  	s1 =	rddreg [dreg:$0x1];
	p0 =	sne.s32 s2, $0x0  }
0x52: {  	s3 =	rddreg [dreg:$0x2];
	[bflag:$0x3] =	sbarrier.arrive $0xFFFF;
	s2 =	simm.s32 @!p0 $0x1C02  }
0x53: {  	[timem:s3], [sflag:s2] =	dma.local @!p0 [hbm:s0], s1  }
0x54: {  	s0 =	simm.s32 @!p0 $0x2  }
0x55: {  	_ =	swait.ge @!p0 [sflag:s0], s1  }
0x56: {  	s1 =	ssub.s32 @!p0 $0x0, s1;
	[sflag:s0] =	ssyncset.done @!p0 $0x0  }
0x57: {  	[sflag:s0] =	ssyncadd.s32 @!p0 s1  }
0x58: {  	[bflag:$0x3] =	sbarrier.arrive $0xFFFF  }
0x59: {  	_ =	shalt  }

// kernel: kernel.7.cloned.1.call-start
scs
__scs_entry_jumppad:
0x0: {  	(pc) =	sbr.rel $0x88, $3  }
0x1: {  	(tag) =	ssettag $0x0;
	lr =	simm.s32 $0x1  }
0x2: {  	[smem:$0x3F95] =	sst lr;
	_ =	strace $0xD0000000  }
0x3: {  	_ = 	snop  }
0x4: {  	_ = 	snop  }
0x5: {  	_ = 	snop  }
0x6: {  	_ = 	snop  }
0x7: {  	_ = 	snop  }
__scs_overlays_trampoline_lowered:
0x8: {  	[smem:$0x3FA4] =	sst s0  }
0x9: {  	[smem:$0x3FA5] =	sst s1  }
0xa: {  	[smem:$0x3FA6] =	sst s2  }
0xb: {  	[smem:$0x3FA7] =	sst s3  }
0xc: {  	[smem:$0x3FA8] =	sst s4  }
0xd: {  	[smem:$0x3FA9] =	sst s5  }
0xe: {  	[smem:$0x3FAA] =	sst s6  }
0xf: {  	[smem:$0x3FAB] =	sst s7  }
0x10: {  	[smem:$0x3FAC] =	sst s8  }
0x11: {  	[smem:$0x3FAD] =	sst s9;
	s0 =	simm.s32 @!p0 $0x0  }
0x12: {  	s1 =	sld [smem:$0x3F93];
	s0 =	simm.s32 @p0 $0x1  }
0x13: {  	[smem:$0x3FAE] =	sst s0;
	s0 =	simm.s32 @!p1 $0x0  }
0x14: {  	s2 =	sld [smem:$0x3F92];
	s0 =	simm.s32 @p1 $0x1  }
0x15: {  	[smem:$0x3FAF] =	sst s0;
	s0 =	simm.s32 @!p2 $0x0  }
0x16: {  	s3 =	sld [smem:$0x3FDB];
	s0 =	simm.s32 @p2 $0x1  }
0x17: {  	s4 =	simm.s32 $0x1BF5;
	[smem:$0x3FB1] =	sst s0  }
0x18: {  	s0 =	sld [smem:$0x3F94];
	_ =	swait.ge [sflag:s4], $0x0  }
0x19: {  	s7 =	sld [smem:$0x3F95]  }
0x1a: {  	s8 =	sadd.s32 $0xFFFFE003, lr  }
0x1b: {  	s9 =	sadd.s32 $0xFFFFFEF7, lr;
	s5 =	simm.s32 $0xFFFFFFFF;
	p2 =	slt.u32 s8, $0xFFFFF086  }
0x1c: {  	p1 =	slt.u32 s9, $0xF7A;
	s5 =	simm.s32 @!p2 $0x0  }
0x1d: {  	s5 =	simm.s32 @p1 $0x1;
	p0 =	seq.s32 s7, s2  }
0x1e: {  	s7 =	smul.u32 @!p0 $0xF7A, s2;
	p2 =	seq.s32 @!p0 s5, $0x0  }
0x1f: {  	s9 =	smul.u32 $0xF7A, s1;
	s8 =	simm.s32 @!p0 $0x1BF5;
	p2 =	por !p2, p0  }
0x20: {  	[sflag:s8] =	ssyncset.s32 @!p0 $0xFFFFF086;
	s6 =	sadd.s32 @!p0 s3, s7;
	s7 =	simm.s32 @!p0 $0x108  }
0x21: {  	s3 =	sadd.s32 s3, s9;
	s6 =	sadd.s32 @!p0 $0x88, s6;
	s7 =	simm.s32 @p2 $0x1082  }
0x22: {  	[simem:s7], [sflag:s8] =	dma.local @!p0 [hbm:s6], $0xF7A  }
0x23: {  	s9 =	sor.u32 $0xD0000000, s2;
	s6 =	simm.s32 $0x108;
	_ =	swait.ge @!p0 [sflag:s8], $0x0  }
0x24: {  	s3 =	sadd.s32 $0x88, s3;
	s6 =	simm.s32 @!p1 $0x1082;
	[sflag:s4] =	ssyncset.s32 $0xFFFFF086  }
0x25: {  	[simem:s6], [sflag:s4] =	dma.local [hbm:s3], $0xF7A  }
0x26: {  	[smem:$0x3F95] =	sst s1;
	(tag) =	ssettag s2;
	_ =	strace s9  }
0x27: {  	s1 =	sld [smem:$0x3FA5]  }
0x28: {  	s2 =	sld [smem:$0x3FA6]  }
0x29: {  	s4 =	sld [smem:$0x3FA8]  }
0x2a: {  	p0 =	seq.s32 s5, $0x0;
	s5 =	sld [smem:$0x3FA9]  }
0x2b: {  	s6 =	sld [smem:$0x3FAA]  }
0x2c: {  	s7 =	sld [smem:$0x3FAB]  }
0x2d: {  	s3 =	simm.s32 $0x108;
	s8 =	sld [smem:$0x3FAC]  }
0x2e: {  	s3 =	simm.s32 @!p0 $0x1082;
	s9 =	sld [smem:$0x3FAD]  }
0x2f: {  	lr =	sadd.s32 s0, s3;
	s0 =	sld [smem:$0x3FA4]  }
0x30: {  	s3 =	sld [smem:$0x3FA7]  }
0x31: {  	[smem:$0x3FB0] =	sst s10  }
0x32: {  	s10 =	sld [smem:$0x3FAE];
	_ =	sdelay $0x3  }
0x33: {  	p0 =	seq.s32 s10, $0x1;
	s10 =	sld [smem:$0x3FB0];
	_ =	sdelay $0x3  }
0x34: {  	[smem:$0x3FB0] =	sst s10  }
0x35: {  	s10 =	sld [smem:$0x3FAF];
	_ =	sdelay $0x3  }
0x36: {  	p1 =	seq.s32 s10, $0x1;
	s10 =	sld [smem:$0x3FB0];
	_ =	sdelay $0x3  }
0x37: {  	[smem:$0x3FB0] =	sst s10  }
0x38: {  	s10 =	sld [smem:$0x3FB1]  }
0x39: {  	_ = 	snop;
	(pc) =	sbr.ind lr, $3  }
0x3a: {  	_ = 	snop  }
0x3b: {  	_ = 	snop  }
0x3c: {  	p2 =	seq.s32 s10, $0x1;
	s10 =	sld [smem:$0x3FB0]  }
0x3d: {  	_ =	shalt  }
0x3e: {  	_ =	shalt  }
0x3f: {  	_ =	shalt  }
0x40: {  	_ =	shalt  }
0x41: {  	_ =	shalt  }
0x42: {  	_ =	shalt  }
0x43: {  	_ =	shalt  }
0x44: {  	_ =	shalt  }
0x45: {  	_ =	shalt  }
0x46: {  	_ =	shalt  }
0x47: {  	_ =	shalt  }
0x48: {  	_ =	shalt  }
0x49: {  	_ =	shalt  }
0x4a: {  	_ =	shalt  }
0x4b: {  	_ =	shalt  }
0x4c: {  	_ =	shalt  }
0x4d: {  	_ =	shalt  }
0x4e: {  	_ =	shalt  }
0x4f: {  	_ =	shalt  }
0x50: {  	_ =	shalt  }
0x51: {  	_ =	shalt  }
0x52: {  	_ =	shalt  }
0x53: {  	_ =	shalt  }
0x54: {  	_ =	shalt  }
0x55: {  	_ =	shalt  }
0x56: {  	_ =	shalt  }
0x57: {  	_ =	shalt  }
0x58: {  	_ =	shalt  }
0x59: {  	_ =	shalt  }
0x5a: {  	_ =	shalt  }
0x5b: {  	_ =	shalt  }
0x5c: {  	_ =	shalt  }
0x5d: {  	_ =	shalt  }
0x5e: {  	_ =	shalt  }
0x5f: {  	_ =	shalt  }
0x60: {  	_ =	shalt  }
0x61: {  	_ =	shalt  }
0x62: {  	_ =	shalt  }
0x63: {  	_ =	shalt  }
0x64: {  	_ =	shalt  }
0x65: {  	_ =	shalt  }
0x66: {  	_ =	shalt  }
0x67: {  	_ =	shalt  }
0x68: {  	_ =	shalt  }
0x69: {  	_ =	shalt  }
0x6a: {  	_ =	shalt  }
0x6b: {  	_ =	shalt  }
0x6c: {  	_ =	shalt  }
0x6d: {  	_ =	shalt  }
0x6e: {  	_ =	shalt  }
0x6f: {  	_ =	shalt  }
0x70: {  	_ =	shalt  }
0x71: {  	_ =	shalt  }
0x72: {  	_ =	shalt  }
0x73: {  	_ =	shalt  }
0x74: {  	_ =	shalt  }
0x75: {  	_ =	shalt  }
0x76: {  	_ =	shalt  }
0x77: {  	_ =	shalt  }
0x78: {  	_ =	shalt  }
0x79: {  	_ =	shalt  }
0x7a: {  	_ =	shalt  }
0x7b: {  	_ =	shalt  }
0x7c: {  	_ =	shalt  }
0x7d: {  	_ =	shalt  }
0x7e: {  	_ =	shalt  }
0x7f: {  	_ =	shalt  }
0x80: {  	_ =	shalt  }
0x81: {  	_ =	shalt  }
0x82: {  	_ =	shalt  }
0x83: {  	_ =	shalt  }
0x84: {  	_ =	shalt  }
0x85: {  	_ =	shalt  }
0x86: {  	_ =	shalt  }
0x87: {  	_ =	shalt  }
.Lfunc_end0:
.L_simem_size_0:
called_computation_lowered:
.L_overlay_start_0:
0x88: {  	s2 =	sld [smem:$0x3FD9]  }
0x89: {  	s3 =	sld [smem:$0x3FFE];
	_ =	sdelay $0x1  }
0x8a: {  	s1 =	srdreg.scid  }
0x8b: {  	s0 =	sand.u32 $0x1, s1  }
0x8c: {  	s17 =	sshll.u32 s0, $0xA;
	s2 =	sadd.s32 s3, s2  }
0x8d: {  	s2 =	sadd.s32 s2, s17  }
0x8e: {  	[smem:$0x3FBC] =	sst s2  }
0x8f: {  	_ = 	snop  }
0x90: {  	s2 =	sld [smem:$0x3FC6]  }
0x91: {  	s18 =	sld [smem:$0x3FC5]  }
0x92: {  	s4 =	sld [smem:$0x3FC4]  }
0x93: {  	s5 =	sld [smem:$0x3FD0];
	(tm) =	ssettm $0x1  }
0x94: {  	s6 =	sld [smem:$0x3FFB];
	_ =	sdelay $0x3  }
0x95: {  	_ =	strace s6  }
0x96: {  	s6 =	sld [smem:$0x3FFC];
	_ =	sdelay $0x3  }
0x97: {  	_ =	strace s6  }
0x98: {  	s6 =	sld [smem:$0x3FFD];
	_ =	sdelay $0x3  }
0x99: {  	_ =	strace s6  }
0x9a: {  	_ =	strace $0x8FFFFFFF  }
0x9b: {  	s19 =	sld [smem:$0x3FDB];
	_ =	sdelay $0x1  }
0x9c: {  	s7 =	simm.s32 $_scs_section_size  }
0x9d: {  	s8 =	simm.s32 $_size__tile_overlayer_lowered;
	s9 =	simm.s32 $_tile_overlayer_lowered  }
0x9e: {  	s22 =	simm.s32 $0x1BFF;
	s21 =	sshll.u32 s9, $0x1;
	s6 =	sadd.s32 s7, s19  }
0x9f: {  	s10 =	simm.s32 $0x0;
	s20 =	sshll.u32 s8, $0x1;
	s8 =	sadd.s32 s21, s6  }
0xa0: {  	[timem:s10], [sflag:s22] =	dma.local [hbm:s8], s20  }
0xa1: {  	_ =	swait.ge [sflag:s22], s20  }
0xa2: {  	s7 =	ssub.s32 $0x0, s20;
	[sflag:s22] =	ssyncset.done $0x0  }
0xa3: {  	[sflag:s22] =	ssyncadd.s32 s7;
	_ =	sdelay $0x1  }
0xa4: {  	s23 =	simm.s32 $0x1B8B  }
0xa5: {  	_ =	swait.ge [sflag:s23], $0x1  }
0xa6: {  	[sflag:s23] =	ssyncset.done $0x0  }
0xa7: {  	s25 =	simm.s32 $0x1B8E;
	s24 =	sld [smem:$0x3FFE];
	[sflag:s23] =	ssyncadd.s32 $0xFFFFFFFF  }
0xa8: {  	s26 =	simm.s32 $execute0_lowered;
	[smem:$0x3FD2] =	sst s25  }
0xa9: {  	s8 =	sshll.u32 s26, $0x1;
	_ =	strace $0x80000046;
	[dreg:$0x1] =	wrdreg $0xFFFFFFFF  }
0xaa: {  	s28 =	simm.s32 $_size_execute0_lowered;
	s6 =	sadd.s32 s6, s8;
	[dreg:$0x0] =	wrdreg $0x0  }
0xab: {  	s8 =	sshll.u32 s28, $0x1;
	[dreg:$0x2] =	wrdreg s6  }
0xac: {  	[dreg:$0x3] =	wrdreg s8  }
0xad: {  	[dreg:$0x4] =	wrdreg $0xC0  }
0xae: {  	_ =	task [dreg:s10], $0x5FFFF  }
0xaf: {  	[dreg:$0x1] =	wrdreg $0xFFFFFFFF  }
0xb0: {  	[dreg:$0x0] =	wrdreg $0x60  }
0xb1: {  	[dreg:$0x2] =	wrdreg s24  }
0xb2: {  	[dreg:$0x3] =	wrdreg s2  }
0xb3: {  	[dreg:$0x4] =	wrdreg s18  }
0xb4: {  	[dreg:$0x5] =	wrdreg s4  }
0xb5: {  	[dreg:$0x6] =	wrdreg s5  }
0xb6: {  	[dreg:$0x7] =	wrdreg $0x0  }
0xb7: {  	[dreg:$0x8] =	wrdreg $0x140000  }
0xb8: {  	[dreg:$0x9] =	wrdreg $0x9  }
0xb9: {  	_ =	task.clear_ibuf [dreg:s10], $0xAFFFF;
	_ =	strace $0x90000046  }
0xba: {  	s29 =	simm.s32 $0x9;
	_ =	strace $0x80000048  }
0xbb: {  	_ =	swait.ge [sflag:s29], $0x1  }
0xbc: {  	[sflag:s29] =	ssyncadd.s32 $0xFFFFFFFF  }
0xbd: {  	_ =	strace $0x90000048  }
0xbe: {  	_ =	sfence  }
0xbf: {  	s30 =	sld [smem:$0x0];
	_ =	sdelay $0x2  }
0xc0: {  	s31 =	sshll.u32 s1, $0xD;
	s1 =	sshrl.u32 s1, $0x2  }
0xc1: {  	s3 =	sand.u32 $0x4000, s31;
	s1 =	sadd.s32 s1, s30  }
0xc2: {  	s0 =	sor.u32 s3, s0;
	s1 =	sshll.u32 s1, $0x11  }
0xc3: {  	s0 =	sor.u32 s1, s0  }
0xc4: {  	s0 =	sadd.s32 $0x8F2B, s0  }
0xc5: {  	[sflag:s0] =	ssyncadd.remote.s32 $0x1  }
0xc6: {  	_ =	sfence.sel $0xFFFF  }
0xc7: {  	[dreg:$0x0] =	wrdreg $0xFFFFFFFF;
	(pc) =	sbr.abs _section_cstart, $3  }
0xc8: {  	[dreg:$0x1] =	wrdreg $0xFFFFFFFF  }
0xc9: {  	_ =	task.clear_ibuf [dreg:s10], $0x2FFFF;
	_ =	strace $0x9FFFFFFF  }
0xca: {  	(tm) =	ssettm $0x7FFFFFFF  }
0xcb: {  	_ =	shalt  }
tec
execute0_lowered:
.L_overlay_start_1:
0x0: {  	(tag) =	ssettag $0x1  }
0x1: {  	s8 =	rddreg [dreg:$0x0]  }
0x2: {  	s0 =	rddreg [dreg:$0x1]  }
0x3: {  	s1 =	rddreg [dreg:$0x2]  }
0x4: {  	s2 =	rddreg [dreg:$0x3]  }
0x5: {  	s9 =	rddreg [dreg:$0x4];
	s4 =	srdreg.scid  }
0x6: {  	s3 =	rddreg [dreg:$0x5];
	s11 =	stileid.u32;
	s5 =	simm.s32 $0x0  }
0x7: {  	s29 =	simm.s32 $0x14400;
	s30 =	simm.s32 $0x2;
	s31 =	simm.s32 $0x14280  }
0x8: {  	s10 =	sand.u32 $0x1, s4;
	s4 =	rddreg [dreg:$0x6];
	s12 =	smul.u32 $0x14000, s11  }
0x9: {  	[smem:$0x7FF] =	sst s5;
	p0 =	sne.s32 s11, $0x0;
	s6 =	ssub.s32 $0x2, s10  }
0xa: {  	s14 =	smul.u32 $0x140000, s10;
	s7 =	sshrl.u32 s6, $0x1;
	s18 =	sor.u32 $0x2800, s12  }
0xb: {  	s19 =	sadd.s32 $0x5000, s12;
	s20 =	sadd.s32 $0x7800, s12;
	s21 =	sadd.s32 $0xA000, s12  }
0xc: {  	s13 =	ssub.s32 s6, s7;
	s6 =	sadd.s32 $0xC800, s12;
	s7 =	sadd.s32 $0xF000, s12  }
0xd: {  	s15 =	sadd.s32 s14, s12;
	s16 =	sadd.s32 s14, s18;
	s12 =	sadd.s32 $0x11800, s12  }
0xe: {  	s25 =	sadd.s32 s14, s19;
	s26 =	sadd.s32 s14, s20;
	s17 =	sadd.s32 s14, s21  }
0xf: {  	s21 =	sadd.s32 s21, s3;
	s15 =	sshrl.u32 s15, $0x3;
	s16 =	sshrl.u32 s16, $0x3  }
0x10: {  	s17 =	sshrl.u32 s17, $0x3;
	s23 =	sadd.s32 s14, s6;
	s28 =	sadd.s32 s7, s3  }
0x11: {  	s15 =	sadd.s32 s9, s15;
	s24 =	sadd.s32 s9, s16;
	s16 =	sshrl.u32 s26, $0x3  }
0x12: {  	s22 =	sadd.s32 s9, s17;
	s26 =	sshll.u32 s11, $0x1;
	[dreg:$0x8] =	wrdreg s15  }
0x13: {  	s11 =	smul.u32 $0x50000, s11;
	[dreg:$0x9] =	wrdreg s24;
	s15 =	sshrl.u32 s25, $0x3  }
0x14: {  	[dreg:$0xc] =	wrdreg s22;
	s24 =	sadd.s32 s14, s7;
	s15 =	sadd.s32 s9, s15  }
0x15: {  	s14 =	sadd.s32 s14, s12;
	[dreg:$0xa] =	wrdreg s15;
	s15 =	sadd.s32 s9, s16  }
0x16: {  	s7 =	simm.s32 $0x1;
	[dreg:$0xb] =	wrdreg s15;
	s15 =	sshrl.u32 s23, $0x3  }
0x17: {  	s25 =	sshrl.u32 s24, $0x3;
	s14 =	sshrl.u32 s14, $0x3;
	s15 =	sadd.s32 s9, s15  }
0x18: {  	s11 =	sshrl.u32 s11, $0x2;
	[dreg:$0xd] =	wrdreg s15;
	s15 =	sadd.s32 s9, s25  }
0x19: {  	v0 =	vimm.s32 $0xFEDCBA98;
	s24 =	sadd.s32 s19, s3;
	s9 =	sadd.s32 s9, s14;
	[dreg:$0xe] =	wrdreg s15  }
0x1a: {  	v1 =	vimm.s32 $0x76543210;
	v2 =	vimm.s32 $0x3210FEDC;
	v3 =	vimm.s32 $0xBA987654;
	s14 =	smax.u32 s13, $0x1;
	s25 =	sadd.s32 s20, s3;
	[dreg:$0xf] =	wrdreg s9  }
0x1b: {  	v4 =	vimm.s32 $0x10FEDCBA;
	v5 =	vimm.s32 $0x98765432;
	s20 =	sadd.s32 s12, s3;
	_ =	strace $0x80000047;
	[dreg:$0x11] =	wrdreg s14  }
0x1c: {  	v6 =	vimm.s32 $0xFEDCBA9;
	v7 =	vimm.s32 $0x87654321;
	s16 =	sadd.s32 $0x1A00, s8;
	s22 =	sadd.s32 s11, s3;
	[dreg:$0x19] =	wrdreg s20  }
0x1d: {  	v0 =	vunpack.c.l.s4.s8 v0;
	v1 =	vunpack.c.l.s4.s8 v1;
	v2 =	vunpack.c.l.s4.s8 v2;
	s11 =	simm.s32 $0x1E400;
	s23 =	sadd.s32 s18, s3;
	[dreg:$0x12] =	wrdreg s22  }
0x1e: {  	v3 =	vunpack.c.l.s4.s8 v3;
	v4 =	vunpack.c.l.s4.s8 v4;
	v5 =	vunpack.c.l.s4.s8 v5;
	s12 =	simm.s32 $0x1BC00;
	s13 =	simm.s32 $0x0;
	[dreg:$0x13] =	wrdreg s23  }
0x1f: {  	v6 =	vunpack.c.l.s4.s8 v6;
	v7 =	vunpack.c.l.s4.s8 v7;
	v0 =	vunpack.c.0.s8.s32 v0;
	s9 =	sor.u32 s10, s26;
	s10 =	smul.u32 $0x500, s10;
	[dreg:$0x14] =	wrdreg s24  }
0x20: {  	v1 =	vunpack.c.0.s8.s32 v1;
	v2 =	vunpack.c.0.s8.s32 v2;
	v3 =	vunpack.c.0.s8.s32 v3;
	s15 =	sadd.s32 $0xB800, s8;
	s26 =	sadd.s32 s6, s3;
	[dreg:$0x15] =	wrdreg s25  }
0x21: {  	v4 =	vunpack.c.0.s8.s32 v4;
	v5 =	vunpack.c.0.s8.s32 v5;
	v0 =	vand.u32 $0xF, v0;
	s6 =	simm.s32 $0x14380;
	s17 =	smul.u32 $0x2710, s9;
	[dreg:$0x16] =	wrdreg s21  }
0x22: {  	v6 =	vunpack.c.0.s8.s32 v6;
	v7 =	vunpack.c.0.s8.s32 v7;
	v0 =	vcombine.low v0, v1;
	s14 =	simm.s32 $0x14300;
	[dreg:$0x17] =	wrdreg s26;
	s10 =	sadd.s32 s10, s8  }
0x23: {  	v1 =	vcombine.low v3, v2;
	v2 =	vimm.f32 $0.0e+00;
	v3 =	vcombine.low v5, v4;
	s9 =	simm.s32 $0x16C00;
	[dreg:$0x18] =	wrdreg s28;
	s10 =	sadd.s32 $0x15600, s10  }
0x24: {  	v4 =	vcombine.low v7, v6;
	v5 =	vlaneseq.u32;
	v6 =	vimm.s32 $0x0;
	s8 =	simm.s32 $0x50;
	[dreg:$0x10] =	wrdreg s10;
	s10 =	simm.s32 $0x19400  }
.LBB2_1:
0x25: {  	s18 =	simm.s32 $0x0;
	s19 =	simm.s32 $0x200  }
.LBB2_2:
0x26: {  	p1 =	sne.s32 s19, $0x9E00;
	[tilespmem:s18+$0x1BC70] =	vst v2  }
0x27: {  	[tilespmem:s18+$0x14400] =	vst v2  }
0x28: {  	[tilespmem:s18+$0x1BC00] =	vst v2  }
0x29: {  	[tilespmem:s18+$0x14410] =	vst v2  }
0x2a: {  	[tilespmem:s18+$0x1BC10] =	vst v2  }
0x2b: {  	[tilespmem:s18+$0x14420] =	vst v2  }
0x2c: {  	[tilespmem:s18+$0x1BC20] =	vst v2  }
0x2d: {  	[tilespmem:s18+$0x14430] =	vst v2  }
0x2e: {  	[tilespmem:s18+$0x1BC30] =	vst v2  }
0x2f: {  	[tilespmem:s18+$0x14440] =	vst v2  }
0x30: {  	[tilespmem:s18+$0x1BC40] =	vst v2  }
.Ltmp0:
0x31: {  	[tilespmem:s18+$0x14450] =	vst v2;
	(pc) =	sbr.rel @p1 .LBB2_2-.Ltmp0, $4  }
0x32: {  	[tilespmem:s18+$0x1BC50] =	vst v2  }
0x33: {  	[tilespmem:s18+$0x14460] =	vst v2  }
0x34: {  	[tilespmem:s18+$0x1BC60] =	vst v2  }
0x35: {  	[tilespmem:s18+$0x14470] =	vst v2;
	s18 =	sshra.s32 s19, $0x2;
	s19 =	sadd.s32 $0x200, s19  }
0x36: {  	[tilespmem:s18+$0x1BC70] =	vst v2  }
0x37: {  	[tilespmem:s18+$0x14400] =	vst v2  }
0x38: {  	[tilespmem:s18+$0x1BC00] =	vst v2  }
0x39: {  	[tilespmem:s18+$0x14410] =	vst v2  }
0x3a: {  	[tilespmem:s18+$0x1BC10] =	vst v2  }
0x3b: {  	[tilespmem:s18+$0x14420] =	vst v2  }
0x3c: {  	[tilespmem:s18+$0x1BC20] =	vst v2  }
0x3d: {  	[tilespmem:s18+$0x14430] =	vst v2  }
0x3e: {  	[tilespmem:s18+$0x1BC30] =	vst v2  }
0x3f: {  	[tilespmem:s18+$0x14440] =	vst v2  }
0x40: {  	[tilespmem:s18+$0x1BC40] =	vst v2  }
0x41: {  	[tilespmem:s18+$0x14450] =	vst v2  }
0x42: {  	[tilespmem:s18+$0x1BC50] =	vst v2  }
0x43: {  	[tilespmem:s18+$0x14460] =	vst v2  }
0x44: {  	[tilespmem:s18+$0x1BC60] =	vst v2  }
0x45: {  	[tilespmem:s18+$0x14470] =	vst v2;
	s18 =	simm.s32 @!p0 $0x1BC00  }
0x46: {  	[spmem:s4] =	stream.linear.scatter @!p0 [tilespmem:s18], [sflag:$0x2], $0x2800, $0x38;
	[tilespmem:$0x1E480] =	vst v63  }
0x47: {  	s18 =	simm.s32 @!p0 $0x2  }
0x48: {  	_ =	swait.ge @!p0 [sflag:s18], $0x2800  }
0x49: {  	[sflag:s18] =	ssyncset.done @!p0 $0x0  }
0x4a: {  	[sflag:s18] =	ssyncadd.s32 @!p0 $0xFFFFD800  }
0x4b: {  	[spmem:s22] =	stream.linear.scatter [tilespmem:s29], [sflag:$0x2], $0x2800, $0x38;
	[tilespmem:$0x1E480] =	vst v63  }
0x4c: {  	_ =	swait.ge [sflag:s30], $0x2800  }
0x4d: {  	[sflag:s30] =	ssyncset.done $0x0  }
0x4e: {  	[sflag:s30] =	ssyncadd.s32 $0xFFFFD800  }
0x4f: {  	[spmem:s23] =	stream.linear.scatter [tilespmem:s29], [sflag:$0x2], $0x2800, $0x38;
	[tilespmem:$0x1E480] =	vst v63  }
0x50: {  	_ =	swait.ge [sflag:s30], $0x2800  }
0x51: {  	[sflag:s30] =	ssyncset.done $0x0  }
0x52: {  	[sflag:s30] =	ssyncadd.s32 $0xFFFFD800  }
0x53: {  	[spmem:s24] =	stream.linear.scatter [tilespmem:s29], [sflag:$0x2], $0x2800, $0x38;
	[tilespmem:$0x1E480] =	vst v63  }
0x54: {  	_ =	swait.ge [sflag:s30], $0x2800  }
0x55: {  	[sflag:s30] =	ssyncset.done $0x0  }
0x56: {  	[sflag:s30] =	ssyncadd.s32 $0xFFFFD800  }
0x57: {  	[spmem:s25] =	stream.linear.scatter [tilespmem:s29], [sflag:$0x2], $0x2800, $0x38;
	[tilespmem:$0x1E480] =	vst v63  }
0x58: {  	_ =	swait.ge [sflag:s30], $0x2800  }
0x59: {  	[sflag:s30] =	ssyncset.done $0x0  }
0x5a: {  	[sflag:s30] =	ssyncadd.s32 $0xFFFFD800  }
0x5b: {  	[spmem:s21] =	stream.linear.scatter [tilespmem:s29], [sflag:$0x2], $0x2800, $0x38;
	[tilespmem:$0x1E480] =	vst v63  }
0x5c: {  	_ =	swait.ge [sflag:s30], $0x2800  }
0x5d: {  	[sflag:s30] =	ssyncset.done $0x0  }
0x5e: {  	[sflag:s30] =	ssyncadd.s32 $0xFFFFD800  }
0x5f: {  	[spmem:s26] =	stream.linear.scatter [tilespmem:s29], [sflag:$0x2], $0x2800, $0x38;
	[tilespmem:$0x1E480] =	vst v63  }
0x60: {  	_ =	swait.ge [sflag:s30], $0x2800  }
0x61: {  	[sflag:s30] =	ssyncset.done $0x0  }
0x62: {  	[sflag:s30] =	ssyncadd.s32 $0xFFFFD800  }
0x63: {  	[spmem:s28] =	stream.linear.scatter [tilespmem:s29], [sflag:$0x2], $0x2800, $0x38;
	[tilespmem:$0x1E480] =	vst v63  }
0x64: {  	_ =	swait.ge [sflag:s30], $0x2800  }
0x65: {  	[sflag:s30] =	ssyncset.done $0x0  }
0x66: {  	s28 =	rddreg [dreg:$0x19];
	[sflag:s30] =	ssyncadd.s32 $0xFFFFD800  }
0x67: {  	[spmem:s28] =	stream.linear.scatter [tilespmem:s29], [sflag:$0x2], $0x2800, $0x38;
	[tilespmem:$0x1E480] =	vst v63  }
0x68: {  	_ =	swait.ge [sflag:s30], $0x2800  }
0x69: {  	[sflag:s30] =	ssyncset.done $0x0  }
0x6a: {  	[sflag:s30] =	ssyncadd.s32 $0xFFFFD800  }
0x6b: {  	s19 =	simm.s32 $0x0;
	s18 =	simm.s32 $0x0;
	[bflag:$0x0] =	sbarrier.arrive $0xFFFF  }
.LBB2_4:
0x6c: {  	s20 =	smul.u32 $0x50, s19;
	_ =	sdelay $0x1  }
0x6d: {  	s20 =	sadd.s32 s17, s20  }
0x6e: {  	s20 =	sshrl.u32 s20, $0x3  }
0x6f: {  	s21 =	sadd.s32 s15, s20  }
0x70: {  	[tilespmem:s31], [sflag:$0x1] =	stream.linear.gather [hbm4b:s21+s18], $0x50, $0x38;
	[tilespmem:$0x1E480] =	vst v63  }
0x71: {  	s28 =	sadd.s32 s16, s20  }
0x72: {  	[tilespmem:s14], [sflag:$0x1] =	stream.linear.gather [hbm4b:s28+s18], $0x50, $0x38;
	[tilespmem:$0x1E480] =	vst v63  }
0x73: {  	s20 =	sadd.s32 s0, s20  }
0x74: {  	[tilespmem:s6], [sflag:$0x1] =	stream.linear.gather [hbm4b:s20+s18], $0x50, $0x38;
	[tilespmem:$0x1E480] =	vst v63  }
0x75: {  	_ =	swait.ge [sflag:s7], $0x50  }
0x76: {  	[sflag:s7] =	ssyncset.done $0x0  }
0x77: {  	[sflag:s7] =	ssyncadd.s32 $0xFFFFFFB0  }
0x78: {  	_ =	swait.ge [sflag:s7], $0x50  }
0x79: {  	[sflag:s7] =	ssyncset.done $0x0  }
0x7a: {  	[sflag:s7] =	ssyncadd.s32 $0xFFFFFFB0  }
0x7b: {  	_ =	swait.ge [sflag:s7], $0x50  }
0x7c: {  	[sflag:s7] =	ssyncset.done $0x0  }
0x7d: {  	[sflag:s7] =	ssyncadd.s32 $0xFFFFFFB0  }
0x7e: {  	[tilespmem:s29], [sflag:$0x1] =	stream.indirect.gather [hbm4b:s1+s8], $0x80, s31, s8, $0xb8;
	[tilespmem:$0x1E480] =	vst v63  }
0x7f: {  	_ = 	snop  }
0x80: {  	[tilespmem:s9], [sflag:$0x1] =	stream.indirect.gather [hbm4b:s2+s8], $0x80, s6, s8, $0xb8;
	[tilespmem:$0x1E480] =	vst v63  }
0x81: {  	_ = 	snop  }
0x82: {  	[tilespmem:s10], [sflag:$0x1] =	stream.indirect.gather [hbm4b:s1+s8], $0x80, s14, s8, $0xb8;
	[tilespmem:$0x1E480] =	vst v63  }
0x83: {  	_ =	swait.ge [sflag:s7], $0x2800  }
0x84: {  	[sflag:s7] =	ssyncset.done $0x0  }
0x85: {  	[sflag:s7] =	ssyncadd.s32 $0xFFFFD800  }
0x86: {  	_ =	swait.ge [sflag:s7], $0x2800  }
0x87: {  	[sflag:s7] =	ssyncset.done $0x0  }
0x88: {  	[sflag:s7] =	ssyncadd.s32 $0xFFFFD800  }
0x89: {  	_ =	swait.ge [sflag:s7], $0x2800  }
0x8a: {  	[sflag:s7] =	ssyncset.done $0x0  }
0x8b: {  	s20 =	simm.s32 $0x14440;
	[sflag:s7] =	ssyncadd.s32 $0xFFFFD800  }
0x8c: {  	s21 =	simm.s32 $0x16C40;
	v7 =	vld [tilespmem:s20+$0xFFFFFFC0]  }
0x8d: {  	v8 =	vld [tilespmem:s21+$0xFFFFFFC0];
	_ =	sdelay $0x4  }
0x8e: {  	v7 =	vadd.f32 v8, v7;
	_ =	sdelay $0x1  }
0x8f: {  	v8 =	vld [tilespmem:s20+$0xFFFFFFD0];
	[tilespmem:s20+$0xFFFFFFC0] =	vst v7  }
0x90: {  	v9 =	vld [tilespmem:s21+$0xFFFFFFD0];
	_ =	sdelay $0x4  }
0x91: {  	v8 =	vadd.f32 v9, v8  }
0x92: {  	s22 =	simm.s32 $0x19440;
	v10 =	vld [tilespmem:s20+$0xFFFFFFE0]  }
0x93: {  	v9 =	vld [tilespmem:s22+$0xFFFFFFC0];
	[tilespmem:s20+$0xFFFFFFD0] =	vst v8  }
0x94: {  	v11 =	vld [tilespmem:s21+$0xFFFFFFE0];
	_ =	sdelay $0x4  }
0x95: {  	v10 =	vadd.f32 v11, v10  }
0x96: {  	v12 =	vld [tilespmem:s20+$0xFFFFFFF0]  }
0x97: {  	v11 =	vld [tilespmem:s22+$0xFFFFFFD0];
	[tilespmem:s20+$0xFFFFFFE0] =	vst v10  }
0x98: {  	v13 =	vld [tilespmem:s21+$0xFFFFFFF0];
	_ =	sdelay $0x4  }
0x99: {  	v12 =	vadd.f32 v13, v12  }
0x9a: {  	v14 =	vld [tilespmem:s20+$0x0]  }
0x9b: {  	v58 =	vld [tilespmem:s22+$0xFFFFFFE0];
	[tilespmem:s20+$0xFFFFFFF0] =	vst v12  }
0x9c: {  	v15 =	vld [tilespmem:s21+$0x0];
	_ =	sdelay $0x4  }
0x9d: {  	v14 =	vadd.f32 v15, v14  }
0x9e: {  	v16 =	vld [tilespmem:s20+$0x10]  }
0x9f: {  	v59 =	vld [tilespmem:s22+$0xFFFFFFF0];
	[tilespmem:s20+$0x0] =	vst v14  }
0xa0: {  	v17 =	vld [tilespmem:s21+$0x10];
	_ =	sdelay $0x4  }
0xa1: {  	v16 =	vadd.f32 v17, v16  }
0xa2: {  	v18 =	vld [tilespmem:s20+$0x20]  }
0xa3: {  	v60 =	vld [tilespmem:s22+$0x0];
	[tilespmem:s20+$0x10] =	vst v16  }
0xa4: {  	v19 =	vld [tilespmem:s21+$0x20];
	_ =	sdelay $0x4  }
0xa5: {  	v18 =	vadd.f32 v19, v18  }
0xa6: {  	v20 =	vld [tilespmem:s20+$0x30]  }
0xa7: {  	v9 =	vmul.f32 v9, v7;
	v61 =	vld [tilespmem:s22+$0x10];
	[tilespmem:s20+$0x20] =	vst v18  }
0xa8: {  	v21 =	vld [tilespmem:s21+$0x30]  }
0xa9: {  	v9 =	vadd.f32 $0.0e+00, v9;
	v11 =	vmul.f32 v11, v8;
	_ =	sdelay $0x1  }
0xaa: {  	v9 =	vadd.f32 v11, v9;
	v13 =	vmul.f32 v58, v10;
	_ =	sdelay $0x1  }
0xab: {  	v9 =	vadd.f32 v13, v9;
	v11 =	vmul.f32 v59, v12;
	v62 =	vadd.f32 v21, v20  }
0xac: {  	v63 =	vld [tilespmem:s22+$0x20]  }
0xad: {  	v9 =	vadd.f32 v11, v9;
	v17 =	vmul.f32 v60, v14;
	[tilespmem:s20+$0x30] =	vst v62  }
0xae: {  	v11 =	vld [tilespmem:s22+$0x30]  }
0xaf: {  	v9 =	vadd.f32 v17, v9;
	v19 =	vmul.f32 v61, v16;
	_ =	sdelay $0x1  }
0xb0: {  	v9 =	vadd.f32 v19, v9;
	v15 =	vmul.f32 v63, v18;
	_ =	sdelay $0x1  }
0xb1: {  	v9 =	vadd.f32 v15, v9;
	v11 =	vmul.f32 v11, v62;
	_ =	sdelay $0x1  }
0xb2: {  	v9 =	vadd.f32 v11, v9;
	_ =	sdelay $0x1  }
0xb3: {  	v11 =	vperm.xlane v9, v0;
	_ =	sdelay $0x1  }
0xb4: {  	v9 =	vadd.f32 v9, v11;
	_ =	sdelay $0x1  }
0xb5: {  	v11 =	vperm.xlane v9, v1;
	_ =	sdelay $0x1  }
0xb6: {  	v9 =	vadd.f32 v9, v11;
	_ =	sdelay $0x1  }
0xb7: {  	v11 =	vperm.xlane v9, v3;
	_ =	sdelay $0x1  }
0xb8: {  	v9 =	vadd.f32 v9, v11;
	_ =	sdelay $0x1  }
0xb9: {  	v11 =	vperm.xlane v9, v4;
	_ =	sdelay $0x1  }
0xba: {  	v9 =	vadd.f32 v9, v11;
	_ =	sdelay $0x1  }
0xbb: {  	v9 =	vmul.f32 $1.442695020e+00, v9;
	_ =	sdelay $0x1  }
0xbc: {  	(erf) = vpow2.f32 v9;
	_ =	sdelay $0x8  }
0xbd: {  	v11 =	vpop (erf)  }
0xbe: {  	v9 =	vmul.f32 v11, v62  }
0xbf: {  	v7 =	vmul.f32 v11, v7  }
0xc0: {  	v10 =	vmul.f32 v11, v10;
	[tilespmem:s20+$0x30] =	vst v9  }
0xc1: {  	v9 =	vmul.f32 v11, v14;
	[tilespmem:s20+$0xFFFFFFC0] =	vst v7  }
0xc2: {  	v7 =	vmul.f32 v11, v16;
	[tilespmem:s20+$0xFFFFFFE0] =	vst v10  }
0xc3: {  	v10 =	vmul.f32 v11, v18;
	[tilespmem:s20+$0x0] =	vst v9  }
0xc4: {  	v9 =	vmul.f32 v11, v12;
	[tilespmem:s20+$0x10] =	vst v7  }
0xc5: {  	v7 =	vmul.f32 v11, v8;
	[tilespmem:s20+$0x20] =	vst v10  }
0xc6: {  	[tilespmem:s20+$0xFFFFFFF0] =	vst v9  }
0xc7: {  	s23 =	sand.u32 $0x70, s18;
	[tilespmem:s20+$0xFFFFFFD0] =	vst v7  }
0xc8: {  	v7 =	vld [tilespmem:s23+$0x14300];
	_ =	sdelay $0x3  }
0xc9: {  	v8 =	vmov s18  }
0xca: {  	v7 =	vperm.xlane v7, v8;
	_ =	sdelay $0x1  }
0xcb: {  	v8 =	vshrl.u32 v7, $0x4;
	v9 =	vand.u32 $0xF, v7  }
0xcc: {  	s24 =	simm.s32 $0x1;
	s25 =	simm.s32 $0x1BCC0;
	s23 =	simm.s32 $0x1BC40;
	v7 =	vand.u32 $0x7, v8;
	vm0 =	vne.s32 v9, v5  }
.LBB2_5:
0xcd: {  	v8 =	vsel vm0, $0x3F800000, v6;
	vm0 =	vne.s32 v7, $0x0;
	vm1 =	vne.s32 v7, $0x6;
	s20 =	sadd.s32 $0x80, s20;
	s21 =	sadd.s32 $0x80, s21;
	s22 =	sadd.s32 $0x80, s22  }
0xce: {  	p1 =	sne.s32 s24, $0x4F;
	vm2 =	vne.s32 v7, $0x4;
	vm3 =	vne.s32 v7, $0x7;
	s26 =	smov.u32 s24;
	s24 =	sadd.s32 $0x1, s24;
	v8 =	vsub.f32 $1.000000000e+00, v8  }
0xcf: {  	vm4 =	vne.s32 v7, $0x3;
	v9 =	vsel vm2, $0x3F800000, v6;
	v10 =	vsel vm3, $0x3F800000, v6  }
0xd0: {  	vm2 =	vne.s32 v7, $0x1;
	v9 =	vsub.f32 $1.000000000e+00, v9;
	v8 =	vmul.f32 v8, v11  }
0xd1: {  	vm3 =	vne.s32 v7, $0x2;
	v10 =	vsub.f32 $1.000000000e+00, v10;
	v11 =	vsel vm4, $0x3F800000, v6  }
0xd2: {  	v12 =	vsel vm1, $0x3F800000, v6;
	v11 =	vsub.f32 $1.000000000e+00, v11;
	v9 =	vmul.f32 v9, v8  }
0xd3: {  	v13 =	vsel vm0, $0x3F800000, v6;
	v14 =	vsel vm3, $0x3F800000, v6;
	v12 =	vsub.f32 $1.000000000e+00, v12  }
0xd4: {  	vm0 =	vne.s32 v7, $0x5;
	v14 =	vsub.f32 $1.000000000e+00, v14;
	v11 =	vmul.f32 v11, v8;
	[tilespmem:s23+$0x0] =	vst v9  }
0xd5: {  	v7 =	vsub.f32 $1.000000000e+00, v13;
	v12 =	vmul.f32 v12, v8;
	v9 =	vsel vm2, $0x3F800000, v6  }
0xd6: {  	v13 =	vmul.f32 v14, v8;
	v9 =	vsub.f32 $1.000000000e+00, v9;
	[tilespmem:s23+$0xFFFFFFF0] =	vst v11;
	v11 =	vsel vm0, $0x3F800000, v6  }
0xd7: {  	v7 =	vmul.f32 v7, v8;
	v10 =	vmul.f32 v10, v8;
	v11 =	vsub.f32 $1.000000000e+00, v11;
	[tilespmem:s23+$0x20] =	vst v12  }
0xd8: {  	v9 =	vmul.f32 v9, v8;
	[tilespmem:s23+$0xFFFFFFE0] =	vst v13  }
0xd9: {  	[tilespmem:s23+$0xFFFFFFC0] =	vst v7;
	v7 =	vmul.f32 v11, v8  }
0xda: {  	[tilespmem:s23+$0x30] =	vst v10  }
0xdb: {  	[tilespmem:s23+$0x10] =	vst v7  }
0xdc: {  	[tilespmem:s23+$0xFFFFFFD0] =	vst v9;
	s23 =	smov.u32 s25  }
0xdd: {  	v7 =	vld [tilespmem:s20+$0xFFFFFFC0]  }
0xde: {  	v8 =	vld [tilespmem:s21+$0xFFFFFFC0];
	_ =	sdelay $0x4  }
0xdf: {  	v7 =	vadd.f32 v8, v7;
	_ =	sdelay $0x1  }
0xe0: {  	[tilespmem:s20+$0xFFFFFFC0] =	vst v7;
	v8 =	vld [tilespmem:s20+$0xFFFFFFD0]  }
0xe1: {  	v9 =	vld [tilespmem:s21+$0xFFFFFFD0];
	_ =	sdelay $0x4  }
0xe2: {  	v8 =	vadd.f32 v9, v8  }
0xe3: {  	v9 =	vld [tilespmem:s22+$0xFFFFFFC0]  }
0xe4: {  	[tilespmem:s20+$0xFFFFFFD0] =	vst v8;
	v10 =	vld [tilespmem:s20+$0xFFFFFFE0]  }
0xe5: {  	v11 =	vld [tilespmem:s21+$0xFFFFFFE0];
	_ =	sdelay $0x2  }
0xe6: {  	v12 =	vmul.f32 v9, v7;
	_ =	sdelay $0x1  }
0xe7: {  	v9 =	vadd.f32 v11, v10  }
0xe8: {  	v10 =	vld [tilespmem:s22+$0xFFFFFFD0]  }
0xe9: {  	[tilespmem:s20+$0xFFFFFFE0] =	vst v9;
	v11 =	vld [tilespmem:s20+$0xFFFFFFF0]  }
0xea: {  	v13 =	vld [tilespmem:s21+$0xFFFFFFF0];
	_ =	sdelay $0x2  }
0xeb: {  	v14 =	vmul.f32 v10, v8;
	_ =	sdelay $0x1  }
0xec: {  	v10 =	vadd.f32 v13, v11  }
0xed: {  	v11 =	vld [tilespmem:s22+$0xFFFFFFE0]  }
0xee: {  	[tilespmem:s20+$0xFFFFFFF0] =	vst v10;
	v13 =	vld [tilespmem:s20+$0x0]  }
0xef: {  	v15 =	vld [tilespmem:s21+$0x0];
	_ =	sdelay $0x2  }
0xf0: {  	v11 =	vmul.f32 v11, v9;
	_ =	sdelay $0x1  }
0xf1: {  	v13 =	vadd.f32 v15, v13  }
0xf2: {  	v15 =	vld [tilespmem:s22+$0xFFFFFFF0]  }
0xf3: {  	[tilespmem:s20+$0x0] =	vst v13;
	v16 =	vld [tilespmem:s20+$0x10]  }
0xf4: {  	v17 =	vld [tilespmem:s21+$0x10];
	_ =	sdelay $0x2  }
0xf5: {  	v15 =	vmul.f32 v15, v10;
	_ =	sdelay $0x1  }
0xf6: {  	v16 =	vadd.f32 v17, v16  }
0xf7: {  	v17 =	vld [tilespmem:s22+$0x0]  }
0xf8: {  	[tilespmem:s20+$0x10] =	vst v16;
	v18 =	vld [tilespmem:s20+$0x20]  }
0xf9: {  	v19 =	vld [tilespmem:s21+$0x20];
	_ =	sdelay $0x2  }
0xfa: {  	v17 =	vmul.f32 v17, v13;
	_ =	sdelay $0x1  }
0xfb: {  	v18 =	vadd.f32 v19, v18  }
0xfc: {  	v19 =	vld [tilespmem:s22+$0x10]  }
0xfd: {  	[tilespmem:s20+$0x20] =	vst v18;
	v20 =	vld [tilespmem:s20+$0x30]  }
0xfe: {  	v21 =	vld [tilespmem:s21+$0x30]  }
0xff: {  	v12 =	vadd.f32 $0.0e+00, v12;
	_ =	sdelay $0x1  }
0x100: {  	v12 =	vadd.f32 v14, v12;
	v14 =	vmul.f32 v19, v16;
	_ =	sdelay $0x1  }
0x101: {  	v11 =	vadd.f32 v11, v12;
	v12 =	vadd.f32 v21, v20  }
0x102: {  	v19 =	vld [tilespmem:s22+$0x20]  }
0x103: {  	v11 =	vadd.f32 v15, v11;
	[tilespmem:s20+$0x30] =	vst v12  }
0x104: {  	v15 =	vld [tilespmem:s22+$0x30]  }
0x105: {  	v11 =	vadd.f32 v17, v11;
	_ =	sdelay $0x1  }
0x106: {  	v11 =	vadd.f32 v14, v11;
	v14 =	vmul.f32 v19, v18;
	_ =	sdelay $0x1  }
0x107: {  	v11 =	vadd.f32 v14, v11;
	v14 =	vmul.f32 v15, v12;
	_ =	sdelay $0x1  }
0x108: {  	v11 =	vadd.f32 v14, v11;
	_ =	sdelay $0x1  }
0x109: {  	v14 =	vperm.xlane v11, v0;
	_ =	sdelay $0x1  }
0x10a: {  	v11 =	vadd.f32 v11, v14;
	_ =	sdelay $0x1  }
0x10b: {  	v14 =	vperm.xlane v11, v1;
	_ =	sdelay $0x1  }
0x10c: {  	v11 =	vadd.f32 v11, v14;
	_ =	sdelay $0x1  }
0x10d: {  	v14 =	vperm.xlane v11, v3;
	_ =	sdelay $0x1  }
0x10e: {  	v11 =	vadd.f32 v11, v14;
	_ =	sdelay $0x1  }
0x10f: {  	v14 =	vperm.xlane v11, v4;
	_ =	sdelay $0x1  }
0x110: {  	v11 =	vadd.f32 v11, v14;
	_ =	sdelay $0x1  }
0x111: {  	v11 =	vmul.f32 $1.442695020e+00, v11;
	_ =	sdelay $0x1  }
0x112: {  	(erf) = vpow2.f32 v11;
	_ =	sdelay $0x8  }
0x113: {  	v11 =	vpop (erf)  }
0x114: {  	v7 =	vmul.f32 v11, v7;
	v12 =	vmul.f32 v11, v12  }
0x115: {  	v9 =	vmul.f32 v11, v9;
	v14 =	vmul.f32 v11, v18  }
0x116: {  	v8 =	vmul.f32 v11, v8;
	v13 =	vmul.f32 v11, v13;
	[tilespmem:s20+$0x30] =	vst v12  }
0x117: {  	[tilespmem:s20+$0xFFFFFFC0] =	vst v7;
	v7 =	vmul.f32 v11, v10;
	v10 =	vmul.f32 v11, v16  }
0x118: {  	[tilespmem:s20+$0xFFFFFFE0] =	vst v9  }
0x119: {  	[tilespmem:s20+$0x0] =	vst v13  }
0x11a: {  	[tilespmem:s20+$0x10] =	vst v10  }
0x11b: {  	[tilespmem:s20+$0x20] =	vst v14  }
0x11c: {  	[tilespmem:s20+$0xFFFFFFF0] =	vst v7  }
0x11d: {  	s28 =	sand.u32 $0x70, s26;
	[tilespmem:s20+$0xFFFFFFD0] =	vst v8  }
0x11e: {  	v7 =	vld [tilespmem:s28+$0x14300];
	_ =	sdelay $0x3  }
.Ltmp1:
0x11f: {  	v8 =	vmov s26;
	(pc) =	sbr.rel @p1 .LBB2_5-.Ltmp1, $3  }
0x120: {  	v7 =	vperm.xlane v7, v8;
	_ =	sdelay $0x1  }
0x121: {  	v8 =	vshrl.u32 v7, $0x4;
	v9 =	vand.u32 $0xF, v7  }
0x122: {  	s25 =	sadd.s32 $0x80, s25;
	v7 =	vand.u32 $0x7, v8;
	vm0 =	vne.s32 v9, v5  }
0x123: {  	v8 =	vsel vm0, $0x3F800000, v6  }
0x124: {  	vm12 =	vne.s32 v7, $0x0;
	vm1 =	vne.s32 v7, $0x6;
	vm2 =	vne.s32 v7, $0x4  }
0x125: {  	vm3 =	vne.s32 v7, $0x7;
	vm4 =	vne.s32 v7, $0x3;
	v8 =	vsub.f32 $1.000000000e+00, v8  }
0x126: {  	vm13 =	vne.s32 v7, $0x1;
	vm14 =	vne.s32 v7, $0x2;
	v9 =	vsel vm2, $0x3F800000, v6  }
0x127: {  	v56 =	vsel vm4, $0x3F800000, v6;
	v9 =	vsub.f32 $1.000000000e+00, v9;
	v8 =	vmul.f32 v8, v11  }
0x128: {  	vm15 =	vne.s32 v7, $0x5;
	v12 =	vsel vm1, $0x3F800000, v6;
	v11 =	vsub.f32 $1.000000000e+00, v56  }
0x129: {  	v13 =	vsel vm14, $0x3F800000, v6;
	v12 =	vsub.f32 $1.000000000e+00, v12;
	v9 =	vmul.f32 v9, v8  }
0x12a: {  	v14 =	vsel vm12, $0x3F800000, v6;
	v13 =	vsub.f32 $1.000000000e+00, v13;
	v11 =	vmul.f32 v11, v8  }
0x12b: {  	v10 =	vsel vm3, $0x3F800000, v6;
	v7 =	vsub.f32 $1.000000000e+00, v14;
	v57 =	vmul.f32 v12, v8;
	[tilespmem:s23+$0x0] =	vst v9  }
0x12c: {  	v59 =	vsel vm15, $0x3F800000, v6;
	v10 =	vsub.f32 $1.000000000e+00, v10;
	v58 =	vmul.f32 v13, v8;
	[tilespmem:s23+$0xFFFFFFF0] =	vst v11  }
0x12d: {  	v60 =	vsel vm13, $0x3F800000, v6;
	v7 =	vmul.f32 v7, v8;
	v11 =	vsub.f32 $1.000000000e+00, v59;
	[tilespmem:s23+$0x20] =	vst v57  }
0x12e: {  	v61 =	vsub.f32 $1.000000000e+00, v60;
	v10 =	vmul.f32 v10, v8;
	[tilespmem:s23+$0xFFFFFFE0] =	vst v58  }
0x12f: {  	[tilespmem:s23+$0xFFFFFFC0] =	vst v7;
	v7 =	vmul.f32 v11, v8  }
0x130: {  	[tilespmem:s23+$0x30] =	vst v10;
	v8 =	vmul.f32 v61, v8  }
0x131: {  	[tilespmem:s23+$0x10] =	vst v7  }
0x132: {  	[tilespmem:s23+$0xFFFFFFD0] =	vst v8  }
0x133: {  	v7 =	vld [tilespmem:$0x14300]  }
0x134: {  	v8 =	vld [tilespmem:$0x14310]  }
0x135: {  	v62 =	vld [tilespmem:$0x14320]  }
0x136: {  	v10 =	vld [tilespmem:$0x14330]  }
0x137: {  	v63 =	vld [tilespmem:$0x14340]  }
0x138: {  	v7 =	vshrl.u32 v7, $0x7  }
0x139: {  	[tilespmem:$0x1E400] =	vst v7;
	v7 =	vshrl.u32 v8, $0x7  }
0x13a: {  	[tilespmem:$0x1E410] =	vst v7;
	v7 =	vshrl.u32 v62, $0x7  }
0x13b: {  	[tilespmem:$0x1E420] =	vst v7;
	v7 =	vshrl.u32 v10, $0x7  }
0x13c: {  	[tilespmem:$0x1E430] =	vst v7;
	v7 =	vshrl.u32 v63, $0x7  }
0x13d: {  	[tilespmem:$0x1E440] =	vst v7  }
0x13e: {  	[spmem:s3] =	stream.indirect.scatter.add.f32 [tilespmem:s29], [sflag:$0x1], $0x80, s14, s8, $0xb8;
	[tilespmem:$0x1E480] =	vst v63  }
0x13f: {  	s19 =	sadd.s32 $0x1, s19  }
0x140: {  	[spmem:s4] =	stream.indirect.scatter.add.f32 [tilespmem:s12], [sflag:$0x1], $0x80, s11, s8, $0xb8;
	[tilespmem:$0x1E480] =	vst v63  }
0x141: {  	p1 =	sne.s32 s19, $0x7D;
	_ =	swait.ge [sflag:s7], $0x2800  }
.Ltmp2:
0x142: {  	[sflag:s7] =	ssyncset.done $0x0;
	(pc) =	sbr.rel @p1 .LBB2_4-.Ltmp2, $4  }
0x143: {  	[sflag:s7] =	ssyncadd.s32 $0xFFFFD800  }
0x144: {  	_ =	swait.ge [sflag:s7], $0x2800  }
0x145: {  	[sflag:s7] =	ssyncset.done $0x0  }
0x146: {  	[sflag:s7] =	ssyncadd.s32 $0xFFFFD800  }
0x147: {  	[bflag:$0x0] =	sbarrier.arrive $0xFFFF  }
0x148: {  	s22 =	rddreg [dreg:$0x12]  }
0x149: {  	[tilespmem:s29], [sflag:$0x2] =	stream.linear.gather [spmem:s22], $0x2800, $0x38;
	[tilespmem:$0x1E480] =	vst v63  }
0x14a: {  	_ =	swait.ge [sflag:s30], $0x2800  }
0x14b: {  	[sflag:s30] =	ssyncset.done $0x0  }
0x14c: {  	s18 =	rddreg [dreg:$0x8];
	[sflag:s30] =	ssyncadd.s32 $0xFFFFD800  }
0x14d: {  	[hbm4b:s18+s5] =	stream.linear.scatter [tilespmem:s29], [sflag:$0x2], $0x2800, $0x38;
	[tilespmem:$0x1E480] =	vst v63  }
0x14e: {  	_ =	swait.ge [sflag:s30], $0x2800  }
0x14f: {  	[sflag:s30] =	ssyncset.done $0x0  }
0x150: {  	s23 =	rddreg [dreg:$0x13];
	[sflag:s30] =	ssyncadd.s32 $0xFFFFD800  }
0x151: {  	[tilespmem:s29], [sflag:$0x2] =	stream.linear.gather [spmem:s23], $0x2800, $0x38;
	[tilespmem:$0x1E480] =	vst v63  }
0x152: {  	_ =	swait.ge [sflag:s30], $0x2800  }
0x153: {  	[sflag:s30] =	ssyncset.done $0x0  }
0x154: {  	s24 =	rddreg [dreg:$0x9];
	[sflag:s30] =	ssyncadd.s32 $0xFFFFD800  }
0x155: {  	[hbm4b:s24+s5] =	stream.linear.scatter [tilespmem:s29], [sflag:$0x2], $0x2800, $0x38;
	[tilespmem:$0x1E480] =	vst v63  }
0x156: {  	_ =	swait.ge [sflag:s30], $0x2800  }
0x157: {  	[sflag:s30] =	ssyncset.done $0x0  }
0x158: {  	s24 =	rddreg [dreg:$0x14];
	[sflag:s30] =	ssyncadd.s32 $0xFFFFD800  }
0x159: {  	[tilespmem:s29], [sflag:$0x2] =	stream.linear.gather [spmem:s24], $0x2800, $0x38;
	[tilespmem:$0x1E480] =	vst v63  }
0x15a: {  	_ =	swait.ge [sflag:s30], $0x2800  }
0x15b: {  	[sflag:s30] =	ssyncset.done $0x0  }
0x15c: {  	s25 =	rddreg [dreg:$0xa];
	[sflag:s30] =	ssyncadd.s32 $0xFFFFD800  }
0x15d: {  	[hbm4b:s25+s5] =	stream.linear.scatter [tilespmem:s29], [sflag:$0x2], $0x2800, $0x38;
	[tilespmem:$0x1E480] =	vst v63  }
0x15e: {  	_ =	swait.ge [sflag:s30], $0x2800  }
0x15f: {  	[sflag:s30] =	ssyncset.done $0x0  }
0x160: {  	s25 =	rddreg [dreg:$0x15];
	[sflag:s30] =	ssyncadd.s32 $0xFFFFD800  }
0x161: {  	[tilespmem:s29], [sflag:$0x2] =	stream.linear.gather [spmem:s25], $0x2800, $0x38;
	[tilespmem:$0x1E480] =	vst v63  }
0x162: {  	_ =	swait.ge [sflag:s30], $0x2800  }
0x163: {  	[sflag:s30] =	ssyncset.done $0x0  }
0x164: {  	s26 =	rddreg [dreg:$0xb];
	[sflag:s30] =	ssyncadd.s32 $0xFFFFD800  }
0x165: {  	[hbm4b:s26+s5] =	stream.linear.scatter [tilespmem:s29], [sflag:$0x2], $0x2800, $0x38;
	[tilespmem:$0x1E480] =	vst v63  }
0x166: {  	_ =	swait.ge [sflag:s30], $0x2800  }
0x167: {  	[sflag:s30] =	ssyncset.done $0x0  }
0x168: {  	s21 =	rddreg [dreg:$0x16];
	[sflag:s30] =	ssyncadd.s32 $0xFFFFD800  }
0x169: {  	[tilespmem:s29], [sflag:$0x2] =	stream.linear.gather [spmem:s21], $0x2800, $0x38;
	[tilespmem:$0x1E480] =	vst v63  }
0x16a: {  	_ =	swait.ge [sflag:s30], $0x2800  }
0x16b: {  	[sflag:s30] =	ssyncset.done $0x0  }
0x16c: {  	s19 =	rddreg [dreg:$0xc];
	[sflag:s30] =	ssyncadd.s32 $0xFFFFD800  }
0x16d: {  	[hbm4b:s19+s5] =	stream.linear.scatter [tilespmem:s29], [sflag:$0x2], $0x2800, $0x38;
	[tilespmem:$0x1E480] =	vst v63  }
0x16e: {  	_ =	swait.ge [sflag:s30], $0x2800  }
0x16f: {  	[sflag:s30] =	ssyncset.done $0x0  }
0x170: {  	s26 =	rddreg [dreg:$0x17];
	[sflag:s30] =	ssyncadd.s32 $0xFFFFD800  }
0x171: {  	[tilespmem:s29], [sflag:$0x2] =	stream.linear.gather [spmem:s26], $0x2800, $0x38;
	[tilespmem:$0x1E480] =	vst v63  }
0x172: {  	_ =	swait.ge [sflag:s30], $0x2800  }
0x173: {  	[sflag:s30] =	ssyncset.done $0x0  }
0x174: {  	s20 =	rddreg [dreg:$0xd];
	[sflag:s30] =	ssyncadd.s32 $0xFFFFD800  }
0x175: {  	[hbm4b:s20+s5] =	stream.linear.scatter [tilespmem:s29], [sflag:$0x2], $0x2800, $0x38;
	[tilespmem:$0x1E480] =	vst v63  }
0x176: {  	_ =	swait.ge [sflag:s30], $0x2800  }
0x177: {  	[sflag:s30] =	ssyncset.done $0x0  }
0x178: {  	s28 =	rddreg [dreg:$0x18];
	[sflag:s30] =	ssyncadd.s32 $0xFFFFD800  }
0x179: {  	[tilespmem:s29], [sflag:$0x2] =	stream.linear.gather [spmem:s28], $0x2800, $0x38;
	[tilespmem:$0x1E480] =	vst v63  }
0x17a: {  	_ =	swait.ge [sflag:s30], $0x2800  }
0x17b: {  	[sflag:s30] =	ssyncset.done $0x0  }
0x17c: {  	s19 =	rddreg [dreg:$0xe];
	[sflag:s30] =	ssyncadd.s32 $0xFFFFD800  }
0x17d: {  	[hbm4b:s19+s5] =	stream.linear.scatter [tilespmem:s29], [sflag:$0x2], $0x2800, $0x38;
	[tilespmem:$0x1E480] =	vst v63  }
0x17e: {  	_ =	swait.ge [sflag:s30], $0x2800  }
0x17f: {  	[sflag:s30] =	ssyncset.done $0x0  }
0x180: {  	s20 =	rddreg [dreg:$0x19];
	[sflag:s30] =	ssyncadd.s32 $0xFFFFD800  }
0x181: {  	[tilespmem:s29], [sflag:$0x2] =	stream.linear.gather [spmem:s20], $0x2800, $0x38;
	[tilespmem:$0x1E480] =	vst v63  }
0x182: {  	_ =	swait.ge [sflag:s30], $0x2800  }
0x183: {  	[sflag:s30] =	ssyncset.done $0x0  }
0x184: {  	s19 =	rddreg [dreg:$0xf];
	[sflag:s30] =	ssyncadd.s32 $0xFFFFD800  }
0x185: {  	[hbm4b:s19+s5] =	stream.linear.scatter [tilespmem:s29], [sflag:$0x2], $0x2800, $0x38;
	[tilespmem:$0x1E480] =	vst v63  }
0x186: {  	_ =	swait.ge [sflag:s30], $0x2800  }
0x187: {  	s18 =	sshrl.u32 @!p0 s4, $0x3;
	[sflag:s30] =	ssyncset.done $0x0  }
0x188: {  	s19 =	simm.s32 @!p0 $0x1C02;
	s20 =	rddreg [dreg:$0x10];
	[sflag:s30] =	ssyncadd.s32 $0xFFFFD800  }
0x189: {  	[hbm:s20], [sflag:s19] =	dma.local @!p0 [spmem:s18], $0x500  }
0x18a: {  	s18 =	simm.s32 @!p0 $0x2  }
0x18b: {  	_ =	swait.ge @!p0 [sflag:s18], $0x500  }
0x18c: {  	s13 =	sadd.s32 $0x1, s13;
	s20 =	rddreg [dreg:$0x11]  }
0x18d: {  	p1 =	sne.s32 s13, s20  }
.Ltmp3:
0x18e: {  	_ = 	snop;
	(pc) =	sbr.rel @p1 .LBB2_1-.Ltmp3, $3  }
0x18f: {  	_ =	sdelay $0x1  }
0x190: {  	[sflag:s18] =	ssyncset.done @!p0 $0x0  }
0x191: {  	[sflag:s18] =	ssyncadd.s32 @!p0 $0xFFFFFB00  }
0x192: {  	_ =	sfence.sel $0x180000  }
0x193: {  	[bflag:$0x0] =	sbarrier.arrive $0xFFFF  }
0x194: {  	_ =	strace $0x90000047  }
0x195: {  	[bflag:$0x2] =	sbarrier.arrive $0xFFFF  }
0x196: {  	s0 =	rddreg [dreg:$0x7]  }
0x197: {  	s0 =	sadd.s32 @!p0 $0x100000, s0  }
0x198: {  	[sflag:s0] =	ssyncadd.tile.s32 @!p0 $0x1;
	_ =	shalt  }
.Lfunc_end2:
_tile_overlayer_lowered:
.L_overlay_start_2:
0x199: {  	(tag) =	ssettag $0x2  }
0x19a: {  	s0 =	rddreg [dreg:$0x0];
	s2 =	stileid.u32  }
0x19b: {  	s1 =	rddreg [dreg:$0x1];
	p0 =	sne.s32 s2, $0x0  }
0x19c: {  	s3 =	rddreg [dreg:$0x2];
	[bflag:$0x3] =	sbarrier.arrive $0xFFFF;
	s2 =	simm.s32 @!p0 $0x1C02  }
0x19d: {  	[timem:s3], [sflag:s2] =	dma.local @!p0 [hbm:s0], s1  }
0x19e: {  	s0 =	simm.s32 @!p0 $0x2  }
0x19f: {  	_ =	swait.ge @!p0 [sflag:s0], s1  }
0x1a0: {  	s1 =	ssub.s32 @!p0 $0x0, s1;
	[sflag:s0] =	ssyncset.done @!p0 $0x0  }
0x1a1: {  	[sflag:s0] =	ssyncadd.s32 @!p0 s1  }
0x1a2: {  	[bflag:$0x3] =	sbarrier.arrive $0xFFFF  }
0x1a3: {  	_ =	shalt  }

</sc_bundles>
